<compile_context>
chip_gen: v7x
topology: tpu7x:2x2x1
jax: 0.10.2.dev20260603
libtpu: 0.0.44.dev20260713+nightly
codegen_flags: <defaults>
</compile_context>

<pallas_src>
import functools

import jax
import jax.numpy as jnp
from jax import lax
from jax.experimental import pallas as pl
from jax.experimental.pallas import tpu as pltpu
from jax.experimental.pallas import tpu_sc as plsc

_B, _L = 16384, 50
_H = 64
_N = _B * _L
_NC, _NS = 2, 16
_NW = _NC * _NS
_ROWS_PER_TILE = _B // _NW
_NBUF = 8

_BB = 128
_TBLK = _BB * _L
_GRID = _B // _BB


_sc_mesh = plsc.VectorSubcoreMesh(core_axis_name="c", subcore_axis_name="s")


@functools.partial(
    pl.kernel,
    mesh=_sc_mesh,
    out_type=jax.ShapeDtypeStruct((_N, 2 * _H), jnp.float32),
    scratch_types=[
        pltpu.VMEM((_ROWS_PER_TILE, _L), jnp.int32),
        pltpu.VMEM((_NBUF, _L, 2 * _H), jnp.float32),
        pltpu.SemaphoreType.DMA,
        pltpu.SemaphoreType.DMA,
        pltpu.SemaphoreType.DMA,
        pltpu.SemaphoreType.DMA,
        pltpu.SemaphoreType.DMA,
        pltpu.SemaphoreType.DMA,
        pltpu.SemaphoreType.DMA,
        pltpu.SemaphoreType.DMA,
        pltpu.SemaphoreType.DMA,
        pltpu.SemaphoreType.DMA,
        pltpu.SemaphoreType.DMA,
        pltpu.SemaphoreType.DMA,
        pltpu.SemaphoreType.DMA,
        pltpu.SemaphoreType.DMA,
        pltpu.SemaphoreType.DMA,
        pltpu.SemaphoreType.DMA,
    ],
    compiler_params=pltpu.CompilerParams(use_tc_tiling_on_sc=False),
)
def _sc_gather(table_hbm, idx_hbm, out_hbm, idx_v, bufs, sg0, sg1, sg2, sg3,
               sg4, sg5, sg6, sg7, sw0, sw1, sw2, sw3, sw4, sw5, sw6, sw7):
    wid = lax.axis_index("s") * _NC + lax.axis_index("c")
    brow0 = wid * _ROWS_PER_TILE
    trow0 = brow0 * _L
    sgs = [sg0, sg1, sg2, sg3, sg4, sg5, sg6, sg7]
    sws = [sw0, sw1, sw2, sw3, sw4, sw5, sw6, sw7]
    pltpu.sync_copy(idx_hbm.at[pl.ds(brow0, _ROWS_PER_TILE)], idx_v)

    for b in range(_NBUF):
        pltpu.async_copy(table_hbm.at[idx_v.at[b]], bufs.at[b], sgs[b])

    def body(i, carry):
        r = i * _NBUF
        for b in range(_NBUF):
            pltpu.make_async_copy(
                table_hbm.at[idx_v.at[r + b]], bufs.at[b], sgs[b]).wait()
            pltpu.async_copy(
                bufs.at[b], out_hbm.at[pl.ds(trow0 + (r + b) * _L, _L)],
                sws[b])
            nxt = r + b + _NBUF

            @pl.when(nxt < _ROWS_PER_TILE)
            def _():
                pltpu.make_async_copy(
                    bufs.at[b],
                    out_hbm.at[pl.ds(trow0 + (r + b) * _L, _L)],
                    sws[b]).wait()
                pltpu.async_copy(table_hbm.at[idx_v.at[nxt]], bufs.at[b],
                                 sgs[b])

        return carry

    lax.fori_loop(0, _ROWS_PER_TILE // _NBUF, body, 0)
    for b in range(_NBUF):
        last = _ROWS_PER_TILE - _NBUF + b
        pltpu.make_async_copy(
            bufs.at[b], out_hbm.at[pl.ds(trow0 + last * _L, _L)],
            sws[b]).wait()


_BKI = 4096


def _pad_body(ttT_ref, out_ref):
    out_ref[:, : _H] = ttT_ref[...].T


_pad_call = pl.pallas_call(
    _pad_body,
    grid=((1000000 + _BKI - 1) // _BKI,),
    in_specs=[pl.BlockSpec((_H, _BKI), lambda i: (0, i))],
    out_specs=pl.BlockSpec((_BKI, 2 * _H), lambda i: (i, 0)),
    out_shape=jax.ShapeDtypeStruct((1000000, 2 * _H), jnp.float32),
    compiler_params=pltpu.CompilerParams(
        dimension_semantics=("parallel",)),
)


def _tc_body(rep_ref, pos_ref, ptab_ref, w2_ref, b2_ref, out_ref):
    x = rep_ref[:, : _H]
    p = pos_ref[...].reshape(_TBLK, 1)
    onehot = (p == lax.broadcasted_iota(jnp.int32, (_TBLK, _H), 1))
    x = x + jnp.dot(onehot.astype(jnp.float32), ptab_ref[...],
                    preferred_element_type=jnp.float32)
    mean = jnp.mean(x, axis=1, keepdims=True)
    xc = x - mean
    var = jnp.mean(xc * xc, axis=1, keepdims=True)
    xn = xc * lax.rsqrt(var + 1e-5)
    y = jnp.dot(xn, w2_ref[...], preferred_element_type=jnp.float32) \
        + b2_ref[...]
    out_ref[...] = y.reshape(_BB, _L, _H)


_tc_call = pl.pallas_call(
    _tc_body,
    grid=(_GRID,),
    in_specs=[
        pl.BlockSpec((_TBLK, 2 * _H), lambda i: (i, 0)),
        pl.BlockSpec((1, 1, _TBLK), lambda i: (i, 0, 0)),
        pl.BlockSpec((_H, _H), lambda i: (0, 0)),
        pl.BlockSpec((_H, _H), lambda i: (0, 0)),
        pl.BlockSpec((1, _H), lambda i: (0, 0)),
    ],
    out_specs=pl.BlockSpec((_BB, _L, _H), lambda i: (i, 0, 0)),
    out_shape=jax.ShapeDtypeStruct((_B, _L, _H), jnp.float32),
    compiler_params=pltpu.CompilerParams(
        dimension_semantics=("parallel",)),
)


def kernel(input, pos, token_table, pos_table, gamma, beta, W, b):
    tpad = _pad_call(token_table.T)
    rep = _sc_gather(tpad, input)
    posr = pos.reshape(_GRID, 1, _TBLK)
    ptab = jnp.zeros((_H, _H), jnp.float32).at[:pos_table.shape[0]].set(pos_table)
    w2 = gamma[:, None] * W.T
    b2 = (beta @ W.T + b).reshape(1, _H)
    return _tc_call(rep, posr, ptab, w2, b2)

# --- scband reference (transcript-rebuilt; emitter-appended) ---
"""Pipeline reference for scband-embeddings-77146202571309 (READ-ONLY COPY).

The authoritative reference and input builder live on the scoring server;
editing this copy changes nothing except your own understanding.
"""

import jax, jax.numpy as jnp
import numpy as np

B, L = 16384, 50
VOCAB, MAX_LEN, H, H_ATTN = 1000000, 50, 64, 64

def setup_inputs(seed: int = 0) -> dict:
    key = jax.random.key(seed)
    ks = jax.random.split(key, 6)
    inp = jax.random.randint(ks[0], (B, L), 0, VOCAB)
    pos = jax.random.randint(ks[1], (B, L), 0, MAX_LEN)
    token_table = jax.random.normal(ks[2], (VOCAB, H), dtype=jnp.float32) * 0.02
    token_table = token_table.at[0].set(0.0)  # padding_idx=0
    pos_table = jax.random.normal(ks[3], (MAX_LEN, H), dtype=jnp.float32) * 0.02
    gamma = jnp.ones((H,), dtype=jnp.float32)
    beta = jnp.zeros((H,), dtype=jnp.float32)
    W = jax.random.normal(ks[4], (H_ATTN, H), dtype=jnp.float32) * 0.02
    b = jnp.zeros((H_ATTN,), dtype=jnp.float32)
    return {"input": inp, "pos": pos, "token_table": token_table, "pos_table": pos_table, "gamma": gamma, "beta": beta, "W": W, "b": b}

def reference(input, pos, token_table, pos_table, gamma, beta, W, b):
    rep = jnp.take(token_table, input, axis=0)          # [B, L, H] embedding gather
    pos_e = jnp.take(pos_table, pos, axis=0)            # [B, L, H]
    x = rep + pos_e
    mean = jnp.mean(x, axis=-1, keepdims=True)
    var = jnp.mean((x - mean) ** 2, axis=-1, keepdims=True)
    xn = (x - mean) / jnp.sqrt(var + 1e-5) * gamma + beta
    out = jnp.einsum('blh,oh->blo', xn, W) + b          # Linear(h -> h_attn)
    return out

if __name__ == "__main__":
    import jax
    _d = setup_inputs()
    print(jax.jit(kernel)(*tuple(_d.values())))

</pallas_src>

<mosaic_0001>
#map = affine_map<(d0, d1) -> (0, 0)>
module attributes {stable_mosaic.version = 14 : i64} {
  func.func @_sc_gather(%arg0: i32, %arg1: i32, %arg2: memref<1000000x128xf32, #tpu.memory_space<hbm>>, %arg3: memref<16384x50xi32, #tpu.memory_space<hbm>>, %arg4: memref<819200x128xf32, #tpu.memory_space<hbm>>, %arg5: memref<512x50xi32, #tpu.memory_space<vmem>>, %arg6: memref<8x50x128xf32, #tpu.memory_space<vmem>>, %arg7: memref<!tpu.dma_semaphore, #tpu.memory_space<semaphore_mem>>, %arg8: memref<!tpu.dma_semaphore, #tpu.memory_space<semaphore_mem>>, %arg9: memref<!tpu.dma_semaphore, #tpu.memory_space<semaphore_mem>>, %arg10: memref<!tpu.dma_semaphore, #tpu.memory_space<semaphore_mem>>, %arg11: memref<!tpu.dma_semaphore, #tpu.memory_space<semaphore_mem>>, %arg12: memref<!tpu.dma_semaphore, #tpu.memory_space<semaphore_mem>>, %arg13: memref<!tpu.dma_semaphore, #tpu.memory_space<semaphore_mem>>, %arg14: memref<!tpu.dma_semaphore, #tpu.memory_space<semaphore_mem>>, %arg15: memref<!tpu.dma_semaphore, #tpu.memory_space<semaphore_mem>>, %arg16: memref<!tpu.dma_semaphore, #tpu.memory_space<semaphore_mem>>, %arg17: memref<!tpu.dma_semaphore, #tpu.memory_space<semaphore_mem>>, %arg18: memref<!tpu.dma_semaphore, #tpu.memory_space<semaphore_mem>>, %arg19: memref<!tpu.dma_semaphore, #tpu.memory_space<semaphore_mem>>, %arg20: memref<!tpu.dma_semaphore, #tpu.memory_space<semaphore_mem>>, %arg21: memref<!tpu.dma_semaphore, #tpu.memory_space<semaphore_mem>>, %arg22: memref<!tpu.dma_semaphore, #tpu.memory_space<semaphore_mem>>) attributes {dimension_semantics = [#tpu.dimension_semantics<core_parallel>, #tpu.dimension_semantics<subcore_parallel>], iteration_bounds = array<i64: 2, 16>, scalar_prefetch = 0 : i64, scratch_operands = 18 : i64, tpu.core_type = #tpu.core_type<sc_vector_subcore>, window_params = [{transform_indices = #map}, {transform_indices = #map}, {transform_indices = #map}]} {
    %mul3A = arith.constant 2 : i32
    %mul3A_0 = arith.muli %arg1, %mul3A : i32
    %add3A = arith.addi %mul3A_0, %arg0 : i32
    %mul3A_1 = arith.constant 512 : i32
    %mul3A_2 = arith.muli %add3A, %mul3A_1 : i32
    %mul3A_3 = arith.constant 50 : i32
    %mul3A_4 = arith.muli %mul3A_2, %mul3A_3 : i32
    "tpu.region"() ({
      %run_scoped3A = tpu.sem_alloc : memref<!tpu.dma_semaphore, #tpu.memory_space<semaphore_mem>>
      %dma_start3A_224 = arith.constant 0 : i32
      %dma_start3A_225 = tpu.memref_slice %arg3[%mul3A_2, %dma_start3A_224] : memref<16384x50xi32, #tpu.memory_space<hbm>> -> memref<512x50xi32, #tpu.memory_space<hbm>>
      %dma_start3A_226 = arith.constant 0 : i32
      %dma_start3A_227 = tpu.memref_slice %arg3[%mul3A_2, %dma_start3A_226] : memref<16384x50xi32, #tpu.memory_space<hbm>> -> memref<512x50xi32, #tpu.memory_space<hbm>>
      tpu.enqueue_dma source(%dma_start3A_227 : memref<512x50xi32, #tpu.memory_space<hbm>>) target(%arg5 : memref<512x50xi32, #tpu.memory_space<vmem>>) target_semaphore(%run_scoped3A : memref<!tpu.dma_semaphore, #tpu.memory_space<semaphore_mem>>)
      %dma_wait3A_228 = arith.constant 0 : i32
      %dma_wait3A_229 = tpu.memref_slice %arg3[%mul3A_2, %dma_wait3A_228] : memref<16384x50xi32, #tpu.memory_space<hbm>> -> memref<512x50xi32, #tpu.memory_space<hbm>>
      %dma_wait3A_230 = arith.constant 0 : i32
      %dma_wait3A_231 = tpu.memref_slice %arg3[%mul3A_2, %dma_wait3A_230] : memref<16384x50xi32, #tpu.memory_space<hbm>> -> memref<512x50xi32, #tpu.memory_space<hbm>>
      tpu.wait_dma2 semaphore(%run_scoped3A : memref<!tpu.dma_semaphore, #tpu.memory_space<semaphore_mem>>) src(%dma_wait3A_231 : memref<512x50xi32, #tpu.memory_space<hbm>>) dst(%arg5 : memref<512x50xi32, #tpu.memory_space<vmem>>)
      tpu.yield
    }) : () -> ()
    %dma_start3A = arith.constant 0 : i32
    %dma_start3A_5 = arith.constant 0 : i32
    %dma_start3A_6 = arith.constant 0 : i32
    %dma_start3A_7 = arith.constant 0 : i32
    %dma_start3A_8 = tpu.memref_slice %arg6[%dma_start3A_5, %dma_start3A_6, %dma_start3A_7] : memref<8x50x128xf32, #tpu.memory_space<vmem>> -> memref<1x50x128xf32, #tpu.memory_space<vmem>>
    %dma_start3A_9 = tpu.memref_squeeze %dma_start3A_8 : memref<1x50x128xf32, #tpu.memory_space<vmem>> -> memref<50x128xf32, #tpu.memory_space<vmem>>
    %dma_start3A_10 = arith.constant 0 : i32
    %dma_start3A_11 = tpu.memref_slice %arg5[%dma_start3A, %dma_start3A_10] : memref<512x50xi32, #tpu.memory_space<vmem>> -> memref<1x50xi32, #tpu.memory_space<vmem>>
    %dma_start3A_12 = tpu.memref_squeeze %dma_start3A_11 : memref<1x50xi32, #tpu.memory_space<vmem>> -> memref<50xi32, #tpu.memory_space<vmem>>
    %dma_start3A_13 = arith.constant 0 : i32
    %dma_start3A_14 = arith.constant 0 : i32
    %dma_start3A_15 = tpu.memref_slice %arg2[%dma_start3A_13, %dma_start3A_14] : memref<1000000x128xf32, #tpu.memory_space<hbm>> -> memref<1000000x128xf32, #tpu.memory_space<hbm>>
    tpu.enqueue_indirect_dma source(%dma_start3A_15 : memref<1000000x128xf32, #tpu.memory_space<hbm>>) target(%dma_start3A_9 : memref<50x128xf32, #tpu.memory_space<vmem>>) offsets(%dma_start3A_12 : memref<50xi32, #tpu.memory_space<vmem>>) semaphore(%arg7 : memref<!tpu.dma_semaphore, #tpu.memory_space<semaphore_mem>>)
    %dma_start3A_16 = arith.constant 1 : i32
    %dma_start3A_17 = arith.constant 1 : i32
    %dma_start3A_18 = arith.constant 0 : i32
    %dma_start3A_19 = arith.constant 0 : i32
    %dma_start3A_20 = tpu.memref_slice %arg6[%dma_start3A_17, %dma_start3A_18, %dma_start3A_19] : memref<8x50x128xf32, #tpu.memory_space<vmem>> -> memref<1x50x128xf32, #tpu.memory_space<vmem>>
    %dma_start3A_21 = tpu.memref_squeeze %dma_start3A_20 : memref<1x50x128xf32, #tpu.memory_space<vmem>> -> memref<50x128xf32, #tpu.memory_space<vmem>>
    %dma_start3A_22 = arith.constant 0 : i32
    %dma_start3A_23 = tpu.memref_slice %arg5[%dma_start3A_16, %dma_start3A_22] : memref<512x50xi32, #tpu.memory_space<vmem>> -> memref<1x50xi32, #tpu.memory_space<vmem>>
    %dma_start3A_24 = tpu.memref_squeeze %dma_start3A_23 : memref<1x50xi32, #tpu.memory_space<vmem>> -> memref<50xi32, #tpu.memory_space<vmem>>
    %dma_start3A_25 = arith.constant 0 : i32
    %dma_start3A_26 = arith.constant 0 : i32
    %dma_start3A_27 = tpu.memref_slice %arg2[%dma_start3A_25, %dma_start3A_26] : memref<1000000x128xf32, #tpu.memory_space<hbm>> -> memref<1000000x128xf32, #tpu.memory_space<hbm>>
    tpu.enqueue_indirect_dma source(%dma_start3A_27 : memref<1000000x128xf32, #tpu.memory_space<hbm>>) target(%dma_start3A_21 : memref<50x128xf32, #tpu.memory_space<vmem>>) offsets(%dma_start3A_24 : memref<50xi32, #tpu.memory_space<vmem>>) semaphore(%arg8 : memref<!tpu.dma_semaphore, #tpu.memory_space<semaphore_mem>>)
    %dma_start3A_28 = arith.constant 2 : i32
    %dma_start3A_29 = arith.constant 2 : i32
    %dma_start3A_30 = arith.constant 0 : i32
    %dma_start3A_31 = arith.constant 0 : i32
    %dma_start3A_32 = tpu.memref_slice %arg6[%dma_start3A_29, %dma_start3A_30, %dma_start3A_31] : memref<8x50x128xf32, #tpu.memory_space<vmem>> -> memref<1x50x128xf32, #tpu.memory_space<vmem>>
    %dma_start3A_33 = tpu.memref_squeeze %dma_start3A_32 : memref<1x50x128xf32, #tpu.memory_space<vmem>> -> memref<50x128xf32, #tpu.memory_space<vmem>>
    %dma_start3A_34 = arith.constant 0 : i32
    %dma_start3A_35 = tpu.memref_slice %arg5[%dma_start3A_28, %dma_start3A_34] : memref<512x50xi32, #tpu.memory_space<vmem>> -> memref<1x50xi32, #tpu.memory_space<vmem>>
    %dma_start3A_36 = tpu.memref_squeeze %dma_start3A_35 : memref<1x50xi32, #tpu.memory_space<vmem>> -> memref<50xi32, #tpu.memory_space<vmem>>
    %dma_start3A_37 = arith.constant 0 : i32
    %dma_start3A_38 = arith.constant 0 : i32
    %dma_start3A_39 = tpu.memref_slice %arg2[%dma_start3A_37, %dma_start3A_38] : memref<1000000x128xf32, #tpu.memory_space<hbm>> -> memref<1000000x128xf32, #tpu.memory_space<hbm>>
    tpu.enqueue_indirect_dma source(%dma_start3A_39 : memref<1000000x128xf32, #tpu.memory_space<hbm>>) target(%dma_start3A_33 : memref<50x128xf32, #tpu.memory_space<vmem>>) offsets(%dma_start3A_36 : memref<50xi32, #tpu.memory_space<vmem>>) semaphore(%arg9 : memref<!tpu.dma_semaphore, #tpu.memory_space<semaphore_mem>>)
    %dma_start3A_40 = arith.constant 3 : i32
    %dma_start3A_41 = arith.constant 3 : i32
    %dma_start3A_42 = arith.constant 0 : i32
    %dma_start3A_43 = arith.constant 0 : i32
    %dma_start3A_44 = tpu.memref_slice %arg6[%dma_start3A_41, %dma_start3A_42, %dma_start3A_43] : memref<8x50x128xf32, #tpu.memory_space<vmem>> -> memref<1x50x128xf32, #tpu.memory_space<vmem>>
    %dma_start3A_45 = tpu.memref_squeeze %dma_start3A_44 : memref<1x50x128xf32, #tpu.memory_space<vmem>> -> memref<50x128xf32, #tpu.memory_space<vmem>>
    %dma_start3A_46 = arith.constant 0 : i32
    %dma_start3A_47 = tpu.memref_slice %arg5[%dma_start3A_40, %dma_start3A_46] : memref<512x50xi32, #tpu.memory_space<vmem>> -> memref<1x50xi32, #tpu.memory_space<vmem>>
    %dma_start3A_48 = tpu.memref_squeeze %dma_start3A_47 : memref<1x50xi32, #tpu.memory_space<vmem>> -> memref<50xi32, #tpu.memory_space<vmem>>
    %dma_start3A_49 = arith.constant 0 : i32
    %dma_start3A_50 = arith.constant 0 : i32
    %dma_start3A_51 = tpu.memref_slice %arg2[%dma_start3A_49, %dma_start3A_50] : memref<1000000x128xf32, #tpu.memory_space<hbm>> -> memref<1000000x128xf32, #tpu.memory_space<hbm>>
    tpu.enqueue_indirect_dma source(%dma_start3A_51 : memref<1000000x128xf32, #tpu.memory_space<hbm>>) target(%dma_start3A_45 : memref<50x128xf32, #tpu.memory_space<vmem>>) offsets(%dma_start3A_48 : memref<50xi32, #tpu.memory_space<vmem>>) semaphore(%arg10 : memref<!tpu.dma_semaphore, #tpu.memory_space<semaphore_mem>>)
    %dma_start3A_52 = arith.constant 4 : i32
    %dma_start3A_53 = arith.constant 4 : i32
    %dma_start3A_54 = arith.constant 0 : i32
    %dma_start3A_55 = arith.constant 0 : i32
    %dma_start3A_56 = tpu.memref_slice %arg6[%dma_start3A_53, %dma_start3A_54, %dma_start3A_55] : memref<8x50x128xf32, #tpu.memory_space<vmem>> -> memref<1x50x128xf32, #tpu.memory_space<vmem>>
    %dma_start3A_57 = tpu.memref_squeeze %dma_start3A_56 : memref<1x50x128xf32, #tpu.memory_space<vmem>> -> memref<50x128xf32, #tpu.memory_space<vmem>>
    %dma_start3A_58 = arith.constant 0 : i32
    %dma_start3A_59 = tpu.memref_slice %arg5[%dma_start3A_52, %dma_start3A_58] : memref<512x50xi32, #tpu.memory_space<vmem>> -> memref<1x50xi32, #tpu.memory_space<vmem>>
    %dma_start3A_60 = tpu.memref_squeeze %dma_start3A_59 : memref<1x50xi32, #tpu.memory_space<vmem>> -> memref<50xi32, #tpu.memory_space<vmem>>
    %dma_start3A_61 = arith.constant 0 : i32
    %dma_start3A_62 = arith.constant 0 : i32
    %dma_start3A_63 = tpu.memref_slice %arg2[%dma_start3A_61, %dma_start3A_62] : memref<1000000x128xf32, #tpu.memory_space<hbm>> -> memref<1000000x128xf32, #tpu.memory_space<hbm>>
    tpu.enqueue_indirect_dma source(%dma_start3A_63 : memref<1000000x128xf32, #tpu.memory_space<hbm>>) target(%dma_start3A_57 : memref<50x128xf32, #tpu.memory_space<vmem>>) offsets(%dma_start3A_60 : memref<50xi32, #tpu.memory_space<vmem>>) semaphore(%arg11 : memref<!tpu.dma_semaphore, #tpu.memory_space<semaphore_mem>>)
    %dma_start3A_64 = arith.constant 5 : i32
    %dma_start3A_65 = arith.constant 5 : i32
    %dma_start3A_66 = arith.constant 0 : i32
    %dma_start3A_67 = arith.constant 0 : i32
    %dma_start3A_68 = tpu.memref_slice %arg6[%dma_start3A_65, %dma_start3A_66, %dma_start3A_67] : memref<8x50x128xf32, #tpu.memory_space<vmem>> -> memref<1x50x128xf32, #tpu.memory_space<vmem>>
    %dma_start3A_69 = tpu.memref_squeeze %dma_start3A_68 : memref<1x50x128xf32, #tpu.memory_space<vmem>> -> memref<50x128xf32, #tpu.memory_space<vmem>>
    %dma_start3A_70 = arith.constant 0 : i32
    %dma_start3A_71 = tpu.memref_slice %arg5[%dma_start3A_64, %dma_start3A_70] : memref<512x50xi32, #tpu.memory_space<vmem>> -> memref<1x50xi32, #tpu.memory_space<vmem>>
    %dma_start3A_72 = tpu.memref_squeeze %dma_start3A_71 : memref<1x50xi32, #tpu.memory_space<vmem>> -> memref<50xi32, #tpu.memory_space<vmem>>
    %dma_start3A_73 = arith.constant 0 : i32
    %dma_start3A_74 = arith.constant 0 : i32
    %dma_start3A_75 = tpu.memref_slice %arg2[%dma_start3A_73, %dma_start3A_74] : memref<1000000x128xf32, #tpu.memory_space<hbm>> -> memref<1000000x128xf32, #tpu.memory_space<hbm>>
    tpu.enqueue_indirect_dma source(%dma_start3A_75 : memref<1000000x128xf32, #tpu.memory_space<hbm>>) target(%dma_start3A_69 : memref<50x128xf32, #tpu.memory_space<vmem>>) offsets(%dma_start3A_72 : memref<50xi32, #tpu.memory_space<vmem>>) semaphore(%arg12 : memref<!tpu.dma_semaphore, #tpu.memory_space<semaphore_mem>>)
    %dma_start3A_76 = arith.constant 6 : i32
    %dma_start3A_77 = arith.constant 6 : i32
    %dma_start3A_78 = arith.constant 0 : i32
    %dma_start3A_79 = arith.constant 0 : i32
    %dma_start3A_80 = tpu.memref_slice %arg6[%dma_start3A_77, %dma_start3A_78, %dma_start3A_79] : memref<8x50x128xf32, #tpu.memory_space<vmem>> -> memref<1x50x128xf32, #tpu.memory_space<vmem>>
    %dma_start3A_81 = tpu.memref_squeeze %dma_start3A_80 : memref<1x50x128xf32, #tpu.memory_space<vmem>> -> memref<50x128xf32, #tpu.memory_space<vmem>>
    %dma_start3A_82 = arith.constant 0 : i32
    %dma_start3A_83 = tpu.memref_slice %arg5[%dma_start3A_76, %dma_start3A_82] : memref<512x50xi32, #tpu.memory_space<vmem>> -> memref<1x50xi32, #tpu.memory_space<vmem>>
    %dma_start3A_84 = tpu.memref_squeeze %dma_start3A_83 : memref<1x50xi32, #tpu.memory_space<vmem>> -> memref<50xi32, #tpu.memory_space<vmem>>
    %dma_start3A_85 = arith.constant 0 : i32
    %dma_start3A_86 = arith.constant 0 : i32
    %dma_start3A_87 = tpu.memref_slice %arg2[%dma_start3A_85, %dma_start3A_86] : memref<1000000x128xf32, #tpu.memory_space<hbm>> -> memref<1000000x128xf32, #tpu.memory_space<hbm>>
    tpu.enqueue_indirect_dma source(%dma_start3A_87 : memref<1000000x128xf32, #tpu.memory_space<hbm>>) target(%dma_start3A_81 : memref<50x128xf32, #tpu.memory_space<vmem>>) offsets(%dma_start3A_84 : memref<50xi32, #tpu.memory_space<vmem>>) semaphore(%arg13 : memref<!tpu.dma_semaphore, #tpu.memory_space<semaphore_mem>>)
    %dma_start3A_88 = arith.constant 7 : i32
    %dma_start3A_89 = arith.constant 7 : i32
    %dma_start3A_90 = arith.constant 0 : i32
    %dma_start3A_91 = arith.constant 0 : i32
    %dma_start3A_92 = tpu.memref_slice %arg6[%dma_start3A_89, %dma_start3A_90, %dma_start3A_91] : memref<8x50x128xf32, #tpu.memory_space<vmem>> -> memref<1x50x128xf32, #tpu.memory_space<vmem>>
    %dma_start3A_93 = tpu.memref_squeeze %dma_start3A_92 : memref<1x50x128xf32, #tpu.memory_space<vmem>> -> memref<50x128xf32, #tpu.memory_space<vmem>>
    %dma_start3A_94 = arith.constant 0 : i32
    %dma_start3A_95 = tpu.memref_slice %arg5[%dma_start3A_88, %dma_start3A_94] : memref<512x50xi32, #tpu.memory_space<vmem>> -> memref<1x50xi32, #tpu.memory_space<vmem>>
    %dma_start3A_96 = tpu.memref_squeeze %dma_start3A_95 : memref<1x50xi32, #tpu.memory_space<vmem>> -> memref<50xi32, #tpu.memory_space<vmem>>
    %dma_start3A_97 = arith.constant 0 : i32
    %dma_start3A_98 = arith.constant 0 : i32
    %dma_start3A_99 = tpu.memref_slice %arg2[%dma_start3A_97, %dma_start3A_98] : memref<1000000x128xf32, #tpu.memory_space<hbm>> -> memref<1000000x128xf32, #tpu.memory_space<hbm>>
    tpu.enqueue_indirect_dma source(%dma_start3A_99 : memref<1000000x128xf32, #tpu.memory_space<hbm>>) target(%dma_start3A_93 : memref<50x128xf32, #tpu.memory_space<vmem>>) offsets(%dma_start3A_96 : memref<50xi32, #tpu.memory_space<vmem>>) semaphore(%arg14 : memref<!tpu.dma_semaphore, #tpu.memory_space<semaphore_mem>>)
    %scan3A = arith.constant 0 : i32
    %scan3A_100 = arith.constant 0 : i32
    %scan3A_101 = arith.constant 64 : i32
    %scan3A_102 = arith.addi %scan3A_100, %scan3A_101 : i32
    %scan3A_103 = arith.constant 1 : i32
    scf.for %scan3A_224 = %scan3A_100 to %scan3A_102 step %scan3A_103  : i32 {
      %mul3A_225 = arith.constant 8 : i32
      %mul3A_226 = arith.muli %scan3A_224, %mul3A_225 : i32
      %add3A_227 = arith.constant 0 : i32
      %add3A_228 = arith.addi %mul3A_226, %add3A_227 : i32
      %dma_wait3A_229 = arith.constant 0 : i32
      %dma_wait3A_230 = arith.constant 0 : i32
      %dma_wait3A_231 = arith.constant 0 : i32
      %dma_wait3A_232 = tpu.memref_slice %arg6[%dma_wait3A_229, %dma_wait3A_230, %dma_wait3A_231] : memref<8x50x128xf32, #tpu.memory_space<vmem>> -> memref<1x50x128xf32, #tpu.memory_space<vmem>>
      %dma_wait3A_233 = tpu.memref_squeeze %dma_wait3A_232 : memref<1x50x128xf32, #tpu.memory_space<vmem>> -> memref<50x128xf32, #tpu.memory_space<vmem>>
      %dma_wait3A_234 = arith.constant 0 : i32
      %dma_wait3A_235 = tpu.memref_slice %arg5[%add3A_228, %dma_wait3A_234] : memref<512x50xi32, #tpu.memory_space<vmem>> -> memref<1x50xi32, #tpu.memory_space<vmem>>
      %dma_wait3A_236 = tpu.memref_squeeze %dma_wait3A_235 : memref<1x50xi32, #tpu.memory_space<vmem>> -> memref<50xi32, #tpu.memory_space<vmem>>
      %dma_wait3A_237 = arith.constant 0 : i32
      %dma_wait3A_238 = arith.constant 0 : i32
      %dma_wait3A_239 = tpu.memref_slice %arg2[%dma_wait3A_237, %dma_wait3A_238] : memref<1000000x128xf32, #tpu.memory_space<hbm>> -> memref<1000000x128xf32, #tpu.memory_space<hbm>>
      tpu.wait_indirect_dma semaphore(%arg7 : memref<!tpu.dma_semaphore, #tpu.memory_space<semaphore_mem>>) src(%dma_wait3A_239 : memref<1000000x128xf32, #tpu.memory_space<hbm>>) dst(%dma_wait3A_233 : memref<50x128xf32, #tpu.memory_space<vmem>>)
      %add3A_240 = arith.constant 0 : i32
      %add3A_241 = arith.addi %mul3A_226, %add3A_240 : i32
      %mul3A_242 = arith.constant 50 : i32
      %mul3A_243 = arith.muli %add3A_241, %mul3A_242 : i32
      %add3A_244 = arith.addi %mul3A_4, %mul3A_243 : i32
      %dma_start3A_245 = arith.constant 0 : i32
      %dma_start3A_246 = arith.constant 0 : i32
      %dma_start3A_247 = arith.constant 0 : i32
      %dma_start3A_248 = tpu.memref_slice %arg6[%dma_start3A_245, %dma_start3A_246, %dma_start3A_247] : memref<8x50x128xf32, #tpu.memory_space<vmem>> -> memref<1x50x128xf32, #tpu.memory_space<vmem>>
      %dma_start3A_249 = tpu.memref_squeeze %dma_start3A_248 : memref<1x50x128xf32, #tpu.memory_space<vmem>> -> memref<50x128xf32, #tpu.memory_space<vmem>>
      %dma_start3A_250 = arith.constant 0 : i32
      %dma_start3A_251 = tpu.memref_slice %arg4[%add3A_244, %dma_start3A_250] : memref<819200x128xf32, #tpu.memory_space<hbm>> -> memref<50x128xf32, #tpu.memory_space<hbm>>
      %dma_start3A_252 = arith.constant 0 : i32
      %dma_start3A_253 = tpu.memref_slice %arg4[%add3A_244, %dma_start3A_252] : memref<819200x128xf32, #tpu.memory_space<hbm>> -> memref<50x128xf32, #tpu.memory_space<hbm>>
      %dma_start3A_254 = arith.constant 0 : i32
      %dma_start3A_255 = arith.constant 0 : i32
      %dma_start3A_256 = tpu.memref_slice %arg6[%dma_start3A_245, %dma_start3A_254, %dma_start3A_255] : memref<8x50x128xf32, #tpu.memory_space<vmem>> -> memref<1x50x128xf32, #tpu.memory_space<vmem>>
      %dma_start3A_257 = tpu.memref_squeeze %dma_start3A_256 : memref<1x50x128xf32, #tpu.memory_space<vmem>> -> memref<50x128xf32, #tpu.memory_space<vmem>>
      tpu.enqueue_dma source(%dma_start3A_257 : memref<50x128xf32, #tpu.memory_space<vmem>>) target(%dma_start3A_253 : memref<50x128xf32, #tpu.memory_space<hbm>>) target_semaphore(%arg15 : memref<!tpu.dma_semaphore, #tpu.memory_space<semaphore_mem>>)
      %add3A_258 = arith.constant 0 : i32
      %add3A_259 = arith.addi %mul3A_226, %add3A_258 : i32
      %add3A_260 = arith.constant 8 : i32
      %add3A_261 = arith.addi %add3A_259, %add3A_260 : i32
      %lt3A = arith.constant 512 : i32
      %lt3A_262 = arith.cmpi slt, %add3A_261, %lt3A : i32
      %convert_element_type3A = arith.extui %lt3A_262 : i1 to i32
      %cond3A = arith.constant 0 : i32
      %cond3A_263 = arith.cmpi ne, %convert_element_type3A, %cond3A : i32
      scf.if %cond3A_263 {
        %add3A_544 = arith.constant 0 : i32
        %add3A_545 = arith.addi %mul3A_226, %add3A_544 : i32
        %mul3A_546 = arith.constant 50 : i32
        %mul3A_547 = arith.muli %add3A_545, %mul3A_546 : i32
        %add3A_548 = arith.addi %mul3A_4, %mul3A_547 : i32
        %dma_wait3A_549 = arith.constant 0 : i32
        %dma_wait3A_550 = arith.constant 0 : i32
        %dma_wait3A_551 = arith.constant 0 : i32
        %dma_wait3A_552 = tpu.memref_slice %arg6[%dma_wait3A_549, %dma_wait3A_550, %dma_wait3A_551] : memref<8x50x128xf32, #tpu.memory_space<vmem>> -> memref<1x50x128xf32, #tpu.memory_space<vmem>>
        %dma_wait3A_553 = tpu.memref_squeeze %dma_wait3A_552 : memref<1x50x128xf32, #tpu.memory_space<vmem>> -> memref<50x128xf32, #tpu.memory_space<vmem>>
        %dma_wait3A_554 = arith.constant 0 : i32
        %dma_wait3A_555 = tpu.memref_slice %arg4[%add3A_548, %dma_wait3A_554] : memref<819200x128xf32, #tpu.memory_space<hbm>> -> memref<50x128xf32, #tpu.memory_space<hbm>>
        %dma_wait3A_556 = arith.constant 0 : i32
        %dma_wait3A_557 = tpu.memref_slice %arg4[%add3A_548, %dma_wait3A_556] : memref<819200x128xf32, #tpu.memory_space<hbm>> -> memref<50x128xf32, #tpu.memory_space<hbm>>
        %dma_wait3A_558 = arith.constant 0 : i32
        %dma_wait3A_559 = arith.constant 0 : i32
        %dma_wait3A_560 = tpu.memref_slice %arg6[%dma_wait3A_549, %dma_wait3A_558, %dma_wait3A_559] : memref<8x50x128xf32, #tpu.memory_space<vmem>> -> memref<1x50x128xf32, #tpu.memory_space<vmem>>
        %dma_wait3A_561 = tpu.memref_squeeze %dma_wait3A_560 : memref<1x50x128xf32, #tpu.memory_space<vmem>> -> memref<50x128xf32, #tpu.memory_space<vmem>>
        tpu.wait_dma2 semaphore(%arg15 : memref<!tpu.dma_semaphore, #tpu.memory_space<semaphore_mem>>) src(%dma_wait3A_561 : memref<50x128xf32, #tpu.memory_space<vmem>>) dst(%dma_wait3A_557 : memref<50x128xf32, #tpu.memory_space<hbm>>)
        %dma_start3A_562 = arith.constant 0 : i32
        %dma_start3A_563 = arith.constant 0 : i32
        %dma_start3A_564 = arith.constant 0 : i32
        %dma_start3A_565 = tpu.memref_slice %arg6[%dma_start3A_562, %dma_start3A_563, %dma_start3A_564] : memref<8x50x128xf32, #tpu.memory_space<vmem>> -> memref<1x50x128xf32, #tpu.memory_space<vmem>>
        %dma_start3A_566 = tpu.memref_squeeze %dma_start3A_565 : memref<1x50x128xf32, #tpu.memory_space<vmem>> -> memref<50x128xf32, #tpu.memory_space<vmem>>
        %dma_start3A_567 = arith.constant 0 : i32
        %dma_start3A_568 = tpu.memref_slice %arg5[%add3A_261, %dma_start3A_567] : memref<512x50xi32, #tpu.memory_space<vmem>> -> memref<1x50xi32, #tpu.memory_space<vmem>>
        %dma_start3A_569 = tpu.memref_squeeze %dma_start3A_568 : memref<1x50xi32, #tpu.memory_space<vmem>> -> memref<50xi32, #tpu.memory_space<vmem>>
        %dma_start3A_570 = arith.constant 0 : i32
        %dma_start3A_571 = arith.constant 0 : i32
        %dma_start3A_572 = tpu.memref_slice %arg2[%dma_start3A_570, %dma_start3A_571] : memref<1000000x128xf32, #tpu.memory_space<hbm>> -> memref<1000000x128xf32, #tpu.memory_space<hbm>>
        tpu.enqueue_indirect_dma source(%dma_start3A_572 : memref<1000000x128xf32, #tpu.memory_space<hbm>>) target(%dma_start3A_566 : memref<50x128xf32, #tpu.memory_space<vmem>>) offsets(%dma_start3A_569 : memref<50xi32, #tpu.memory_space<vmem>>) semaphore(%arg7 : memref<!tpu.dma_semaphore, #tpu.memory_space<semaphore_mem>>)
      } else {
      }
      %add3A_264 = arith.constant 1 : i32
      %add3A_265 = arith.addi %mul3A_226, %add3A_264 : i32
      %dma_wait3A_266 = arith.constant 1 : i32
      %dma_wait3A_267 = arith.constant 0 : i32
      %dma_wait3A_268 = arith.constant 0 : i32
      %dma_wait3A_269 = tpu.memref_slice %arg6[%dma_wait3A_266, %dma_wait3A_267, %dma_wait3A_268] : memref<8x50x128xf32, #tpu.memory_space<vmem>> -> memref<1x50x128xf32, #tpu.memory_space<vmem>>
      %dma_wait3A_270 = tpu.memref_squeeze %dma_wait3A_269 : memref<1x50x128xf32, #tpu.memory_space<vmem>> -> memref<50x128xf32, #tpu.memory_space<vmem>>
      %dma_wait3A_271 = arith.constant 0 : i32
      %dma_wait3A_272 = tpu.memref_slice %arg5[%add3A_265, %dma_wait3A_271] : memref<512x50xi32, #tpu.memory_space<vmem>> -> memref<1x50xi32, #tpu.memory_space<vmem>>
      %dma_wait3A_273 = tpu.memref_squeeze %dma_wait3A_272 : memref<1x50xi32, #tpu.memory_space<vmem>> -> memref<50xi32, #tpu.memory_space<vmem>>
      %dma_wait3A_274 = arith.constant 0 : i32
      %dma_wait3A_275 = arith.constant 0 : i32
      %dma_wait3A_276 = tpu.memref_slice %arg2[%dma_wait3A_274, %dma_wait3A_275] : memref<1000000x128xf32, #tpu.memory_space<hbm>> -> memref<1000000x128xf32, #tpu.memory_space<hbm>>
      tpu.wait_indirect_dma semaphore(%arg8 : memref<!tpu.dma_semaphore, #tpu.memory_space<semaphore_mem>>) src(%dma_wait3A_276 : memref<1000000x128xf32, #tpu.memory_space<hbm>>) dst(%dma_wait3A_270 : memref<50x128xf32, #tpu.memory_space<vmem>>)
      %add3A_277 = arith.constant 1 : i32
      %add3A_278 = arith.addi %mul3A_226, %add3A_277 : i32
      %mul3A_279 = arith.constant 50 : i32
      %mul3A_280 = arith.muli %add3A_278, %mul3A_279 : i32
      %add3A_281 = arith.addi %mul3A_4, %mul3A_280 : i32
      %dma_start3A_282 = arith.constant 1 : i32
      %dma_start3A_283 = arith.constant 0 : i32
      %dma_start3A_284 = arith.constant 0 : i32
      %dma_start3A_285 = tpu.memref_slice %arg6[%dma_start3A_282, %dma_start3A_283, %dma_start3A_284] : memref<8x50x128xf32, #tpu.memory_space<vmem>> -> memref<1x50x128xf32, #tpu.memory_space<vmem>>
      %dma_start3A_286 = tpu.memref_squeeze %dma_start3A_285 : memref<1x50x128xf32, #tpu.memory_space<vmem>> -> memref<50x128xf32, #tpu.memory_space<vmem>>
      %dma_start3A_287 = arith.constant 0 : i32
      %dma_start3A_288 = tpu.memref_slice %arg4[%add3A_281, %dma_start3A_287] : memref<819200x128xf32, #tpu.memory_space<hbm>> -> memref<50x128xf32, #tpu.memory_space<hbm>>
      %dma_start3A_289 = arith.constant 0 : i32
      %dma_start3A_290 = tpu.memref_slice %arg4[%add3A_281, %dma_start3A_289] : memref<819200x128xf32, #tpu.memory_space<hbm>> -> memref<50x128xf32, #tpu.memory_space<hbm>>
      %dma_start3A_291 = arith.constant 0 : i32
      %dma_start3A_292 = arith.constant 0 : i32
      %dma_start3A_293 = tpu.memref_slice %arg6[%dma_start3A_282, %dma_start3A_291, %dma_start3A_292] : memref<8x50x128xf32, #tpu.memory_space<vmem>> -> memref<1x50x128xf32, #tpu.memory_space<vmem>>
      %dma_start3A_294 = tpu.memref_squeeze %dma_start3A_293 : memref<1x50x128xf32, #tpu.memory_space<vmem>> -> memref<50x128xf32, #tpu.memory_space<vmem>>
      tpu.enqueue_dma source(%dma_start3A_294 : memref<50x128xf32, #tpu.memory_space<vmem>>) target(%dma_start3A_290 : memref<50x128xf32, #tpu.memory_space<hbm>>) target_semaphore(%arg16 : memref<!tpu.dma_semaphore, #tpu.memory_space<semaphore_mem>>)
      %add3A_295 = arith.constant 1 : i32
      %add3A_296 = arith.addi %mul3A_226, %add3A_295 : i32
      %add3A_297 = arith.constant 8 : i32
      %add3A_298 = arith.addi %add3A_296, %add3A_297 : i32
      %lt3A_299 = arith.constant 512 : i32
      %lt3A_300 = arith.cmpi slt, %add3A_298, %lt3A_299 : i32
      %convert_element_type3A_301 = arith.extui %lt3A_300 : i1 to i32
      %cond3A_302 = arith.constant 0 : i32
      %cond3A_303 = arith.cmpi ne, %convert_element_type3A_301, %cond3A_302 : i32
      scf.if %cond3A_303 {
        %add3A_544 = arith.constant 1 : i32
        %add3A_545 = arith.addi %mul3A_226, %add3A_544 : i32
        %mul3A_546 = arith.constant 50 : i32
        %mul3A_547 = arith.muli %add3A_545, %mul3A_546 : i32
        %add3A_548 = arith.addi %mul3A_4, %mul3A_547 : i32
        %dma_wait3A_549 = arith.constant 1 : i32
        %dma_wait3A_550 = arith.constant 0 : i32
        %dma_wait3A_551 = arith.constant 0 : i32
        %dma_wait3A_552 = tpu.memref_slice %arg6[%dma_wait3A_549, %dma_wait3A_550, %dma_wait3A_551] : memref<8x50x128xf32, #tpu.memory_space<vmem>> -> memref<1x50x128xf32, #tpu.memory_space<vmem>>
        %dma_wait3A_553 = tpu.memref_squeeze %dma_wait3A_552 : memref<1x50x128xf32, #tpu.memory_space<vmem>> -> memref<50x128xf32, #tpu.memory_space<vmem>>
        %dma_wait3A_554 = arith.constant 0 : i32
        %dma_wait3A_555 = tpu.memref_slice %arg4[%add3A_548, %dma_wait3A_554] : memref<819200x128xf32, #tpu.memory_space<hbm>> -> memref<50x128xf32, #tpu.memory_space<hbm>>
        %dma_wait3A_556 = arith.constant 0 : i32
        %dma_wait3A_557 = tpu.memref_slice %arg4[%add3A_548, %dma_wait3A_556] : memref<819200x128xf32, #tpu.memory_space<hbm>> -> memref<50x128xf32, #tpu.memory_space<hbm>>
        %dma_wait3A_558 = arith.constant 0 : i32
        %dma_wait3A_559 = arith.constant 0 : i32
        %dma_wait3A_560 = tpu.memref_slice %arg6[%dma_wait3A_549, %dma_wait3A_558, %dma_wait3A_559] : memref<8x50x128xf32, #tpu.memory_space<vmem>> -> memref<1x50x128xf32, #tpu.memory_space<vmem>>
        %dma_wait3A_561 = tpu.memref_squeeze %dma_wait3A_560 : memref<1x50x128xf32, #tpu.memory_space<vmem>> -> memref<50x128xf32, #tpu.memory_space<vmem>>
        tpu.wait_dma2 semaphore(%arg16 : memref<!tpu.dma_semaphore, #tpu.memory_space<semaphore_mem>>) src(%dma_wait3A_561 : memref<50x128xf32, #tpu.memory_space<vmem>>) dst(%dma_wait3A_557 : memref<50x128xf32, #tpu.memory_space<hbm>>)
        %dma_start3A_562 = arith.constant 1 : i32
        %dma_start3A_563 = arith.constant 0 : i32
        %dma_start3A_564 = arith.constant 0 : i32
        %dma_start3A_565 = tpu.memref_slice %arg6[%dma_start3A_562, %dma_start3A_563, %dma_start3A_564] : memref<8x50x128xf32, #tpu.memory_space<vmem>> -> memref<1x50x128xf32, #tpu.memory_space<vmem>>
        %dma_start3A_566 = tpu.memref_squeeze %dma_start3A_565 : memref<1x50x128xf32, #tpu.memory_space<vmem>> -> memref<50x128xf32, #tpu.memory_space<vmem>>
        %dma_start3A_567 = arith.constant 0 : i32
        %dma_start3A_568 = tpu.memref_slice %arg5[%add3A_298, %dma_start3A_567] : memref<512x50xi32, #tpu.memory_space<vmem>> -> memref<1x50xi32, #tpu.memory_space<vmem>>
        %dma_start3A_569 = tpu.memref_squeeze %dma_start3A_568 : memref<1x50xi32, #tpu.memory_space<vmem>> -> memref<50xi32, #tpu.memory_space<vmem>>
        %dma_start3A_570 = arith.constant 0 : i32
        %dma_start3A_571 = arith.constant 0 : i32
        %dma_start3A_572 = tpu.memref_slice %arg2[%dma_start3A_570, %dma_start3A_571] : memref<1000000x128xf32, #tpu.memory_space<hbm>> -> memref<1000000x128xf32, #tpu.memory_space<hbm>>
        tpu.enqueue_indirect_dma source(%dma_start3A_572 : memref<1000000x128xf32, #tpu.memory_space<hbm>>) target(%dma_start3A_566 : memref<50x128xf32, #tpu.memory_space<vmem>>) offsets(%dma_start3A_569 : memref<50xi32, #tpu.memory_space<vmem>>) semaphore(%arg8 : memref<!tpu.dma_semaphore, #tpu.memory_space<semaphore_mem>>)
      } else {
      }
      %add3A_304 = arith.constant 2 : i32
      %add3A_305 = arith.addi %mul3A_226, %add3A_304 : i32
      %dma_wait3A_306 = arith.constant 2 : i32
      %dma_wait3A_307 = arith.constant 0 : i32
      %dma_wait3A_308 = arith.constant 0 : i32
      %dma_wait3A_309 = tpu.memref_slice %arg6[%dma_wait3A_306, %dma_wait3A_307, %dma_wait3A_308] : memref<8x50x128xf32, #tpu.memory_space<vmem>> -> memref<1x50x128xf32, #tpu.memory_space<vmem>>
      %dma_wait3A_310 = tpu.memref_squeeze %dma_wait3A_309 : memref<1x50x128xf32, #tpu.memory_space<vmem>> -> memref<50x128xf32, #tpu.memory_space<vmem>>
      %dma_wait3A_311 = arith.constant 0 : i32
      %dma_wait3A_312 = tpu.memref_slice %arg5[%add3A_305, %dma_wait3A_311] : memref<512x50xi32, #tpu.memory_space<vmem>> -> memref<1x50xi32, #tpu.memory_space<vmem>>
      %dma_wait3A_313 = tpu.memref_squeeze %dma_wait3A_312 : memref<1x50xi32, #tpu.memory_space<vmem>> -> memref<50xi32, #tpu.memory_space<vmem>>
      %dma_wait3A_314 = arith.constant 0 : i32
      %dma_wait3A_315 = arith.constant 0 : i32
      %dma_wait3A_316 = tpu.memref_slice %arg2[%dma_wait3A_314, %dma_wait3A_315] : memref<1000000x128xf32, #tpu.memory_space<hbm>> -> memref<1000000x128xf32, #tpu.memory_space<hbm>>
      tpu.wait_indirect_dma semaphore(%arg9 : memref<!tpu.dma_semaphore, #tpu.memory_space<semaphore_mem>>) src(%dma_wait3A_316 : memref<1000000x128xf32, #tpu.memory_space<hbm>>) dst(%dma_wait3A_310 : memref<50x128xf32, #tpu.memory_space<vmem>>)
      %add3A_317 = arith.constant 2 : i32
      %add3A_318 = arith.addi %mul3A_226, %add3A_317 : i32
      %mul3A_319 = arith.constant 50 : i32
      %mul3A_320 = arith.muli %add3A_318, %mul3A_319 : i32
      %add3A_321 = arith.addi %mul3A_4, %mul3A_320 : i32
      %dma_start3A_322 = arith.constant 2 : i32
      %dma_start3A_323 = arith.constant 0 : i32
      %dma_start3A_324 = arith.constant 0 : i32
      %dma_start3A_325 = tpu.memref_slice %arg6[%dma_start3A_322, %dma_start3A_323, %dma_start3A_324] : memref<8x50x128xf32, #tpu.memory_space<vmem>> -> memref<1x50x128xf32, #tpu.memory_space<vmem>>
      %dma_start3A_326 = tpu.memref_squeeze %dma_start3A_325 : memref<1x50x128xf32, #tpu.memory_space<vmem>> -> memref<50x128xf32, #tpu.memory_space<vmem>>
      %dma_start3A_327 = arith.constant 0 : i32
      %dma_start3A_328 = tpu.memref_slice %arg4[%add3A_321, %dma_start3A_327] : memref<819200x128xf32, #tpu.memory_space<hbm>> -> memref<50x128xf32, #tpu.memory_space<hbm>>
      %dma_start3A_329 = arith.constant 0 : i32
      %dma_start3A_330 = tpu.memref_slice %arg4[%add3A_321, %dma_start3A_329] : memref<819200x128xf32, #tpu.memory_space<hbm>> -> memref<50x128xf32, #tpu.memory_space<hbm>>
      %dma_start3A_331 = arith.constant 0 : i32
      %dma_start3A_332 = arith.constant 0 : i32
      %dma_start3A_333 = tpu.memref_slice %arg6[%dma_start3A_322, %dma_start3A_331, %dma_start3A_332] : memref<8x50x128xf32, #tpu.memory_space<vmem>> -> memref<1x50x128xf32, #tpu.memory_space<vmem>>
      %dma_start3A_334 = tpu.memref_squeeze %dma_start3A_333 : memref<1x50x128xf32, #tpu.memory_space<vmem>> -> memref<50x128xf32, #tpu.memory_space<vmem>>
      tpu.enqueue_dma source(%dma_start3A_334 : memref<50x128xf32, #tpu.memory_space<vmem>>) target(%dma_start3A_330 : memref<50x128xf32, #tpu.memory_space<hbm>>) target_semaphore(%arg17 : memref<!tpu.dma_semaphore, #tpu.memory_space<semaphore_mem>>)
      %add3A_335 = arith.constant 2 : i32
      %add3A_336 = arith.addi %mul3A_226, %add3A_335 : i32
      %add3A_337 = arith.constant 8 : i32
      %add3A_338 = arith.addi %add3A_336, %add3A_337 : i32
      %lt3A_339 = arith.constant 512 : i32
      %lt3A_340 = arith.cmpi slt, %add3A_338, %lt3A_339 : i32
      %convert_element_type3A_341 = arith.extui %lt3A_340 : i1 to i32
      %cond3A_342 = arith.constant 0 : i32
      %cond3A_343 = arith.cmpi ne, %convert_element_type3A_341, %cond3A_342 : i32
      scf.if %cond3A_343 {
        %add3A_544 = arith.constant 2 : i32
        %add3A_545 = arith.addi %mul3A_226, %add3A_544 : i32
        %mul3A_546 = arith.constant 50 : i32
        %mul3A_547 = arith.muli %add3A_545, %mul3A_546 : i32
        %add3A_548 = arith.addi %mul3A_4, %mul3A_547 : i32
        %dma_wait3A_549 = arith.constant 2 : i32
        %dma_wait3A_550 = arith.constant 0 : i32
        %dma_wait3A_551 = arith.constant 0 : i32
        %dma_wait3A_552 = tpu.memref_slice %arg6[%dma_wait3A_549, %dma_wait3A_550, %dma_wait3A_551] : memref<8x50x128xf32, #tpu.memory_space<vmem>> -> memref<1x50x128xf32, #tpu.memory_space<vmem>>
        %dma_wait3A_553 = tpu.memref_squeeze %dma_wait3A_552 : memref<1x50x128xf32, #tpu.memory_space<vmem>> -> memref<50x128xf32, #tpu.memory_space<vmem>>
        %dma_wait3A_554 = arith.constant 0 : i32
        %dma_wait3A_555 = tpu.memref_slice %arg4[%add3A_548, %dma_wait3A_554] : memref<819200x128xf32, #tpu.memory_space<hbm>> -> memref<50x128xf32, #tpu.memory_space<hbm>>
        %dma_wait3A_556 = arith.constant 0 : i32
        %dma_wait3A_557 = tpu.memref_slice %arg4[%add3A_548, %dma_wait3A_556] : memref<819200x128xf32, #tpu.memory_space<hbm>> -> memref<50x128xf32, #tpu.memory_space<hbm>>
        %dma_wait3A_558 = arith.constant 0 : i32
        %dma_wait3A_559 = arith.constant 0 : i32
        %dma_wait3A_560 = tpu.memref_slice %arg6[%dma_wait3A_549, %dma_wait3A_558, %dma_wait3A_559] : memref<8x50x128xf32, #tpu.memory_space<vmem>> -> memref<1x50x128xf32, #tpu.memory_space<vmem>>
        %dma_wait3A_561 = tpu.memref_squeeze %dma_wait3A_560 : memref<1x50x128xf32, #tpu.memory_space<vmem>> -> memref<50x128xf32, #tpu.memory_space<vmem>>
        tpu.wait_dma2 semaphore(%arg17 : memref<!tpu.dma_semaphore, #tpu.memory_space<semaphore_mem>>) src(%dma_wait3A_561 : memref<50x128xf32, #tpu.memory_space<vmem>>) dst(%dma_wait3A_557 : memref<50x128xf32, #tpu.memory_space<hbm>>)
        %dma_start3A_562 = arith.constant 2 : i32
        %dma_start3A_563 = arith.constant 0 : i32
        %dma_start3A_564 = arith.constant 0 : i32
        %dma_start3A_565 = tpu.memref_slice %arg6[%dma_start3A_562, %dma_start3A_563, %dma_start3A_564] : memref<8x50x128xf32, #tpu.memory_space<vmem>> -> memref<1x50x128xf32, #tpu.memory_space<vmem>>
        %dma_start3A_566 = tpu.memref_squeeze %dma_start3A_565 : memref<1x50x128xf32, #tpu.memory_space<vmem>> -> memref<50x128xf32, #tpu.memory_space<vmem>>
        %dma_start3A_567 = arith.constant 0 : i32
        %dma_start3A_568 = tpu.memref_slice %arg5[%add3A_338, %dma_start3A_567] : memref<512x50xi32, #tpu.memory_space<vmem>> -> memref<1x50xi32, #tpu.memory_space<vmem>>
        %dma_start3A_569 = tpu.memref_squeeze %dma_start3A_568 : memref<1x50xi32, #tpu.memory_space<vmem>> -> memref<50xi32, #tpu.memory_space<vmem>>
        %dma_start3A_570 = arith.constant 0 : i32
        %dma_start3A_571 = arith.constant 0 : i32
        %dma_start3A_572 = tpu.memref_slice %arg2[%dma_start3A_570, %dma_start3A_571] : memref<1000000x128xf32, #tpu.memory_space<hbm>> -> memref<1000000x128xf32, #tpu.memory_space<hbm>>
        tpu.enqueue_indirect_dma source(%dma_start3A_572 : memref<1000000x128xf32, #tpu.memory_space<hbm>>) target(%dma_start3A_566 : memref<50x128xf32, #tpu.memory_space<vmem>>) offsets(%dma_start3A_569 : memref<50xi32, #tpu.memory_space<vmem>>) semaphore(%arg9 : memref<!tpu.dma_semaphore, #tpu.memory_space<semaphore_mem>>)
      } else {
      }
      %add3A_344 = arith.constant 3 : i32
      %add3A_345 = arith.addi %mul3A_226, %add3A_344 : i32
      %dma_wait3A_346 = arith.constant 3 : i32
      %dma_wait3A_347 = arith.constant 0 : i32
      %dma_wait3A_348 = arith.constant 0 : i32
      %dma_wait3A_349 = tpu.memref_slice %arg6[%dma_wait3A_346, %dma_wait3A_347, %dma_wait3A_348] : memref<8x50x128xf32, #tpu.memory_space<vmem>> -> memref<1x50x128xf32, #tpu.memory_space<vmem>>
      %dma_wait3A_350 = tpu.memref_squeeze %dma_wait3A_349 : memref<1x50x128xf32, #tpu.memory_space<vmem>> -> memref<50x128xf32, #tpu.memory_space<vmem>>
      %dma_wait3A_351 = arith.constant 0 : i32
      %dma_wait3A_352 = tpu.memref_slice %arg5[%add3A_345, %dma_wait3A_351] : memref<512x50xi32, #tpu.memory_space<vmem>> -> memref<1x50xi32, #tpu.memory_space<vmem>>
      %dma_wait3A_353 = tpu.memref_squeeze %dma_wait3A_352 : memref<1x50xi32, #tpu.memory_space<vmem>> -> memref<50xi32, #tpu.memory_space<vmem>>
      %dma_wait3A_354 = arith.constant 0 : i32
      %dma_wait3A_355 = arith.constant 0 : i32
      %dma_wait3A_356 = tpu.memref_slice %arg2[%dma_wait3A_354, %dma_wait3A_355] : memref<1000000x128xf32, #tpu.memory_space<hbm>> -> memref<1000000x128xf32, #tpu.memory_space<hbm>>
      tpu.wait_indirect_dma semaphore(%arg10 : memref<!tpu.dma_semaphore, #tpu.memory_space<semaphore_mem>>) src(%dma_wait3A_356 : memref<1000000x128xf32, #tpu.memory_space<hbm>>) dst(%dma_wait3A_350 : memref<50x128xf32, #tpu.memory_space<vmem>>)
      %add3A_357 = arith.constant 3 : i32
      %add3A_358 = arith.addi %mul3A_226, %add3A_357 : i32
      %mul3A_359 = arith.constant 50 : i32
      %mul3A_360 = arith.muli %add3A_358, %mul3A_359 : i32
      %add3A_361 = arith.addi %mul3A_4, %mul3A_360 : i32
      %dma_start3A_362 = arith.constant 3 : i32
      %dma_start3A_363 = arith.constant 0 : i32
      %dma_start3A_364 = arith.constant 0 : i32
      %dma_start3A_365 = tpu.memref_slice %arg6[%dma_start3A_362, %dma_start3A_363, %dma_start3A_364] : memref<8x50x128xf32, #tpu.memory_space<vmem>> -> memref<1x50x128xf32, #tpu.memory_space<vmem>>
      %dma_start3A_366 = tpu.memref_squeeze %dma_start3A_365 : memref<1x50x128xf32, #tpu.memory_space<vmem>> -> memref<50x128xf32, #tpu.memory_space<vmem>>
      %dma_start3A_367 = arith.constant 0 : i32
      %dma_start3A_368 = tpu.memref_slice %arg4[%add3A_361, %dma_start3A_367] : memref<819200x128xf32, #tpu.memory_space<hbm>> -> memref<50x128xf32, #tpu.memory_space<hbm>>
      %dma_start3A_369 = arith.constant 0 : i32
      %dma_start3A_370 = tpu.memref_slice %arg4[%add3A_361, %dma_start3A_369] : memref<819200x128xf32, #tpu.memory_space<hbm>> -> memref<50x128xf32, #tpu.memory_space<hbm>>
      %dma_start3A_371 = arith.constant 0 : i32
      %dma_start3A_372 = arith.constant 0 : i32
      %dma_start3A_373 = tpu.memref_slice %arg6[%dma_start3A_362, %dma_start3A_371, %dma_start3A_372] : memref<8x50x128xf32, #tpu.memory_space<vmem>> -> memref<1x50x128xf32, #tpu.memory_space<vmem>>
      %dma_start3A_374 = tpu.memref_squeeze %dma_start3A_373 : memref<1x50x128xf32, #tpu.memory_space<vmem>> -> memref<50x128xf32, #tpu.memory_space<vmem>>
      tpu.enqueue_dma source(%dma_start3A_374 : memref<50x128xf32, #tpu.memory_space<vmem>>) target(%dma_start3A_370 : memref<50x128xf32, #tpu.memory_space<hbm>>) target_semaphore(%arg18 : memref<!tpu.dma_semaphore, #tpu.memory_space<semaphore_mem>>)
      %add3A_375 = arith.constant 3 : i32
      %add3A_376 = arith.addi %mul3A_226, %add3A_375 : i32
      %add3A_377 = arith.constant 8 : i32
      %add3A_378 = arith.addi %add3A_376, %add3A_377 : i32
      %lt3A_379 = arith.constant 512 : i32
      %lt3A_380 = arith.cmpi slt, %add3A_378, %lt3A_379 : i32
      %convert_element_type3A_381 = arith.extui %lt3A_380 : i1 to i32
      %cond3A_382 = arith.constant 0 : i32
      %cond3A_383 = arith.cmpi ne, %convert_element_type3A_381, %cond3A_382 : i32
      scf.if %cond3A_383 {
        %add3A_544 = arith.constant 3 : i32
        %add3A_545 = arith.addi %mul3A_226, %add3A_544 : i32
        %mul3A_546 = arith.constant 50 : i32
        %mul3A_547 = arith.muli %add3A_545, %mul3A_546 : i32
        %add3A_548 = arith.addi %mul3A_4, %mul3A_547 : i32
        %dma_wait3A_549 = arith.constant 3 : i32
        %dma_wait3A_550 = arith.constant 0 : i32
        %dma_wait3A_551 = arith.constant 0 : i32
        %dma_wait3A_552 = tpu.memref_slice %arg6[%dma_wait3A_549, %dma_wait3A_550, %dma_wait3A_551] : memref<8x50x128xf32, #tpu.memory_space<vmem>> -> memref<1x50x128xf32, #tpu.memory_space<vmem>>
        %dma_wait3A_553 = tpu.memref_squeeze %dma_wait3A_552 : memref<1x50x128xf32, #tpu.memory_space<vmem>> -> memref<50x128xf32, #tpu.memory_space<vmem>>
        %dma_wait3A_554 = arith.constant 0 : i32
        %dma_wait3A_555 = tpu.memref_slice %arg4[%add3A_548, %dma_wait3A_554] : memref<819200x128xf32, #tpu.memory_space<hbm>> -> memref<50x128xf32, #tpu.memory_space<hbm>>
        %dma_wait3A_556 = arith.constant 0 : i32
        %dma_wait3A_557 = tpu.memref_slice %arg4[%add3A_548, %dma_wait3A_556] : memref<819200x128xf32, #tpu.memory_space<hbm>> -> memref<50x128xf32, #tpu.memory_space<hbm>>
        %dma_wait3A_558 = arith.constant 0 : i32
        %dma_wait3A_559 = arith.constant 0 : i32
        %dma_wait3A_560 = tpu.memref_slice %arg6[%dma_wait3A_549, %dma_wait3A_558, %dma_wait3A_559] : memref<8x50x128xf32, #tpu.memory_space<vmem>> -> memref<1x50x128xf32, #tpu.memory_space<vmem>>
        %dma_wait3A_561 = tpu.memref_squeeze %dma_wait3A_560 : memref<1x50x128xf32, #tpu.memory_space<vmem>> -> memref<50x128xf32, #tpu.memory_space<vmem>>
        tpu.wait_dma2 semaphore(%arg18 : memref<!tpu.dma_semaphore, #tpu.memory_space<semaphore_mem>>) src(%dma_wait3A_561 : memref<50x128xf32, #tpu.memory_space<vmem>>) dst(%dma_wait3A_557 : memref<50x128xf32, #tpu.memory_space<hbm>>)
        %dma_start3A_562 = arith.constant 3 : i32
        %dma_start3A_563 = arith.constant 0 : i32
        %dma_start3A_564 = arith.constant 0 : i32
        %dma_start3A_565 = tpu.memref_slice %arg6[%dma_start3A_562, %dma_start3A_563, %dma_start3A_564] : memref<8x50x128xf32, #tpu.memory_space<vmem>> -> memref<1x50x128xf32, #tpu.memory_space<vmem>>
        %dma_start3A_566 = tpu.memref_squeeze %dma_start3A_565 : memref<1x50x128xf32, #tpu.memory_space<vmem>> -> memref<50x128xf32, #tpu.memory_space<vmem>>
        %dma_start3A_567 = arith.constant 0 : i32
        %dma_start3A_568 = tpu.memref_slice %arg5[%add3A_378, %dma_start3A_567] : memref<512x50xi32, #tpu.memory_space<vmem>> -> memref<1x50xi32, #tpu.memory_space<vmem>>
        %dma_start3A_569 = tpu.memref_squeeze %dma_start3A_568 : memref<1x50xi32, #tpu.memory_space<vmem>> -> memref<50xi32, #tpu.memory_space<vmem>>
        %dma_start3A_570 = arith.constant 0 : i32
        %dma_start3A_571 = arith.constant 0 : i32
        %dma_start3A_572 = tpu.memref_slice %arg2[%dma_start3A_570, %dma_start3A_571] : memref<1000000x128xf32, #tpu.memory_space<hbm>> -> memref<1000000x128xf32, #tpu.memory_space<hbm>>
        tpu.enqueue_indirect_dma source(%dma_start3A_572 : memref<1000000x128xf32, #tpu.memory_space<hbm>>) target(%dma_start3A_566 : memref<50x128xf32, #tpu.memory_space<vmem>>) offsets(%dma_start3A_569 : memref<50xi32, #tpu.memory_space<vmem>>) semaphore(%arg10 : memref<!tpu.dma_semaphore, #tpu.memory_space<semaphore_mem>>)
      } else {
      }
      %add3A_384 = arith.constant 4 : i32
      %add3A_385 = arith.addi %mul3A_226, %add3A_384 : i32
      %dma_wait3A_386 = arith.constant 4 : i32
      %dma_wait3A_387 = arith.constant 0 : i32
      %dma_wait3A_388 = arith.constant 0 : i32
      %dma_wait3A_389 = tpu.memref_slice %arg6[%dma_wait3A_386, %dma_wait3A_387, %dma_wait3A_388] : memref<8x50x128xf32, #tpu.memory_space<vmem>> -> memref<1x50x128xf32, #tpu.memory_space<vmem>>
      %dma_wait3A_390 = tpu.memref_squeeze %dma_wait3A_389 : memref<1x50x128xf32, #tpu.memory_space<vmem>> -> memref<50x128xf32, #tpu.memory_space<vmem>>
      %dma_wait3A_391 = arith.constant 0 : i32
      %dma_wait3A_392 = tpu.memref_slice %arg5[%add3A_385, %dma_wait3A_391] : memref<512x50xi32, #tpu.memory_space<vmem>> -> memref<1x50xi32, #tpu.memory_space<vmem>>
      %dma_wait3A_393 = tpu.memref_squeeze %dma_wait3A_392 : memref<1x50xi32, #tpu.memory_space<vmem>> -> memref<50xi32, #tpu.memory_space<vmem>>
      %dma_wait3A_394 = arith.constant 0 : i32
      %dma_wait3A_395 = arith.constant 0 : i32
      %dma_wait3A_396 = tpu.memref_slice %arg2[%dma_wait3A_394, %dma_wait3A_395] : memref<1000000x128xf32, #tpu.memory_space<hbm>> -> memref<1000000x128xf32, #tpu.memory_space<hbm>>
      tpu.wait_indirect_dma semaphore(%arg11 : memref<!tpu.dma_semaphore, #tpu.memory_space<semaphore_mem>>) src(%dma_wait3A_396 : memref<1000000x128xf32, #tpu.memory_space<hbm>>) dst(%dma_wait3A_390 : memref<50x128xf32, #tpu.memory_space<vmem>>)
      %add3A_397 = arith.constant 4 : i32
      %add3A_398 = arith.addi %mul3A_226, %add3A_397 : i32
      %mul3A_399 = arith.constant 50 : i32
      %mul3A_400 = arith.muli %add3A_398, %mul3A_399 : i32
      %add3A_401 = arith.addi %mul3A_4, %mul3A_400 : i32
      %dma_start3A_402 = arith.constant 4 : i32
      %dma_start3A_403 = arith.constant 0 : i32
      %dma_start3A_404 = arith.constant 0 : i32
      %dma_start3A_405 = tpu.memref_slice %arg6[%dma_start3A_402, %dma_start3A_403, %dma_start3A_404] : memref<8x50x128xf32, #tpu.memory_space<vmem>> -> memref<1x50x128xf32, #tpu.memory_space<vmem>>
      %dma_start3A_406 = tpu.memref_squeeze %dma_start3A_405 : memref<1x50x128xf32, #tpu.memory_space<vmem>> -> memref<50x128xf32, #tpu.memory_space<vmem>>
      %dma_start3A_407 = arith.constant 0 : i32
      %dma_start3A_408 = tpu.memref_slice %arg4[%add3A_401, %dma_start3A_407] : memref<819200x128xf32, #tpu.memory_space<hbm>> -> memref<50x128xf32, #tpu.memory_space<hbm>>
      %dma_start3A_409 = arith.constant 0 : i32
      %dma_start3A_410 = tpu.memref_slice %arg4[%add3A_401, %dma_start3A_409] : memref<819200x128xf32, #tpu.memory_space<hbm>> -> memref<50x128xf32, #tpu.memory_space<hbm>>
      %dma_start3A_411 = arith.constant 0 : i32
      %dma_start3A_412 = arith.constant 0 : i32
      %dma_start3A_413 = tpu.memref_slice %arg6[%dma_start3A_402, %dma_start3A_411, %dma_start3A_412] : memref<8x50x128xf32, #tpu.memory_space<vmem>> -> memref<1x50x128xf32, #tpu.memory_space<vmem>>
      %dma_start3A_414 = tpu.memref_squeeze %dma_start3A_413 : memref<1x50x128xf32, #tpu.memory_space<vmem>> -> memref<50x128xf32, #tpu.memory_space<vmem>>
      tpu.enqueue_dma source(%dma_start3A_414 : memref<50x128xf32, #tpu.memory_space<vmem>>) target(%dma_start3A_410 : memref<50x128xf32, #tpu.memory_space<hbm>>) target_semaphore(%arg19 : memref<!tpu.dma_semaphore, #tpu.memory_space<semaphore_mem>>)
      %add3A_415 = arith.constant 4 : i32
      %add3A_416 = arith.addi %mul3A_226, %add3A_415 : i32
      %add3A_417 = arith.constant 8 : i32
      %add3A_418 = arith.addi %add3A_416, %add3A_417 : i32
      %lt3A_419 = arith.constant 512 : i32
      %lt3A_420 = arith.cmpi slt, %add3A_418, %lt3A_419 : i32
      %convert_element_type3A_421 = arith.extui %lt3A_420 : i1 to i32
      %cond3A_422 = arith.constant 0 : i32
      %cond3A_423 = arith.cmpi ne, %convert_element_type3A_421, %cond3A_422 : i32
      scf.if %cond3A_423 {
        %add3A_544 = arith.constant 4 : i32
        %add3A_545 = arith.addi %mul3A_226, %add3A_544 : i32
        %mul3A_546 = arith.constant 50 : i32
        %mul3A_547 = arith.muli %add3A_545, %mul3A_546 : i32
        %add3A_548 = arith.addi %mul3A_4, %mul3A_547 : i32
        %dma_wait3A_549 = arith.constant 4 : i32
        %dma_wait3A_550 = arith.constant 0 : i32
        %dma_wait3A_551 = arith.constant 0 : i32
        %dma_wait3A_552 = tpu.memref_slice %arg6[%dma_wait3A_549, %dma_wait3A_550, %dma_wait3A_551] : memref<8x50x128xf32, #tpu.memory_space<vmem>> -> memref<1x50x128xf32, #tpu.memory_space<vmem>>
        %dma_wait3A_553 = tpu.memref_squeeze %dma_wait3A_552 : memref<1x50x128xf32, #tpu.memory_space<vmem>> -> memref<50x128xf32, #tpu.memory_space<vmem>>
        %dma_wait3A_554 = arith.constant 0 : i32
        %dma_wait3A_555 = tpu.memref_slice %arg4[%add3A_548, %dma_wait3A_554] : memref<819200x128xf32, #tpu.memory_space<hbm>> -> memref<50x128xf32, #tpu.memory_space<hbm>>
        %dma_wait3A_556 = arith.constant 0 : i32
        %dma_wait3A_557 = tpu.memref_slice %arg4[%add3A_548, %dma_wait3A_556] : memref<819200x128xf32, #tpu.memory_space<hbm>> -> memref<50x128xf32, #tpu.memory_space<hbm>>
        %dma_wait3A_558 = arith.constant 0 : i32
        %dma_wait3A_559 = arith.constant 0 : i32
        %dma_wait3A_560 = tpu.memref_slice %arg6[%dma_wait3A_549, %dma_wait3A_558, %dma_wait3A_559] : memref<8x50x128xf32, #tpu.memory_space<vmem>> -> memref<1x50x128xf32, #tpu.memory_space<vmem>>
        %dma_wait3A_561 = tpu.memref_squeeze %dma_wait3A_560 : memref<1x50x128xf32, #tpu.memory_space<vmem>> -> memref<50x128xf32, #tpu.memory_space<vmem>>
        tpu.wait_dma2 semaphore(%arg19 : memref<!tpu.dma_semaphore, #tpu.memory_space<semaphore_mem>>) src(%dma_wait3A_561 : memref<50x128xf32, #tpu.memory_space<vmem>>) dst(%dma_wait3A_557 : memref<50x128xf32, #tpu.memory_space<hbm>>)
        %dma_start3A_562 = arith.constant 4 : i32
        %dma_start3A_563 = arith.constant 0 : i32
        %dma_start3A_564 = arith.constant 0 : i32
        %dma_start3A_565 = tpu.memref_slice %arg6[%dma_start3A_562, %dma_start3A_563, %dma_start3A_564] : memref<8x50x128xf32, #tpu.memory_space<vmem>> -> memref<1x50x128xf32, #tpu.memory_space<vmem>>
        %dma_start3A_566 = tpu.memref_squeeze %dma_start3A_565 : memref<1x50x128xf32, #tpu.memory_space<vmem>> -> memref<50x128xf32, #tpu.memory_space<vmem>>
        %dma_start3A_567 = arith.constant 0 : i32
        %dma_start3A_568 = tpu.memref_slice %arg5[%add3A_418, %dma_start3A_567] : memref<512x50xi32, #tpu.memory_space<vmem>> -> memref<1x50xi32, #tpu.memory_space<vmem>>
        %dma_start3A_569 = tpu.memref_squeeze %dma_start3A_568 : memref<1x50xi32, #tpu.memory_space<vmem>> -> memref<50xi32, #tpu.memory_space<vmem>>
        %dma_start3A_570 = arith.constant 0 : i32
        %dma_start3A_571 = arith.constant 0 : i32
        %dma_start3A_572 = tpu.memref_slice %arg2[%dma_start3A_570, %dma_start3A_571] : memref<1000000x128xf32, #tpu.memory_space<hbm>> -> memref<1000000x128xf32, #tpu.memory_space<hbm>>
        tpu.enqueue_indirect_dma source(%dma_start3A_572 : memref<1000000x128xf32, #tpu.memory_space<hbm>>) target(%dma_start3A_566 : memref<50x128xf32, #tpu.memory_space<vmem>>) offsets(%dma_start3A_569 : memref<50xi32, #tpu.memory_space<vmem>>) semaphore(%arg11 : memref<!tpu.dma_semaphore, #tpu.memory_space<semaphore_mem>>)
      } else {
      }
      %add3A_424 = arith.constant 5 : i32
      %add3A_425 = arith.addi %mul3A_226, %add3A_424 : i32
      %dma_wait3A_426 = arith.constant 5 : i32
      %dma_wait3A_427 = arith.constant 0 : i32
      %dma_wait3A_428 = arith.constant 0 : i32
      %dma_wait3A_429 = tpu.memref_slice %arg6[%dma_wait3A_426, %dma_wait3A_427, %dma_wait3A_428] : memref<8x50x128xf32, #tpu.memory_space<vmem>> -> memref<1x50x128xf32, #tpu.memory_space<vmem>>
      %dma_wait3A_430 = tpu.memref_squeeze %dma_wait3A_429 : memref<1x50x128xf32, #tpu.memory_space<vmem>> -> memref<50x128xf32, #tpu.memory_space<vmem>>
      %dma_wait3A_431 = arith.constant 0 : i32
      %dma_wait3A_432 = tpu.memref_slice %arg5[%add3A_425, %dma_wait3A_431] : memref<512x50xi32, #tpu.memory_space<vmem>> -> memref<1x50xi32, #tpu.memory_space<vmem>>
      %dma_wait3A_433 = tpu.memref_squeeze %dma_wait3A_432 : memref<1x50xi32, #tpu.memory_space<vmem>> -> memref<50xi32, #tpu.memory_space<vmem>>
      %dma_wait3A_434 = arith.constant 0 : i32
      %dma_wait3A_435 = arith.constant 0 : i32
      %dma_wait3A_436 = tpu.memref_slice %arg2[%dma_wait3A_434, %dma_wait3A_435] : memref<1000000x128xf32, #tpu.memory_space<hbm>> -> memref<1000000x128xf32, #tpu.memory_space<hbm>>
      tpu.wait_indirect_dma semaphore(%arg12 : memref<!tpu.dma_semaphore, #tpu.memory_space<semaphore_mem>>) src(%dma_wait3A_436 : memref<1000000x128xf32, #tpu.memory_space<hbm>>) dst(%dma_wait3A_430 : memref<50x128xf32, #tpu.memory_space<vmem>>)
      %add3A_437 = arith.constant 5 : i32
      %add3A_438 = arith.addi %mul3A_226, %add3A_437 : i32
      %mul3A_439 = arith.constant 50 : i32
      %mul3A_440 = arith.muli %add3A_438, %mul3A_439 : i32
      %add3A_441 = arith.addi %mul3A_4, %mul3A_440 : i32
      %dma_start3A_442 = arith.constant 5 : i32
      %dma_start3A_443 = arith.constant 0 : i32
      %dma_start3A_444 = arith.constant 0 : i32
      %dma_start3A_445 = tpu.memref_slice %arg6[%dma_start3A_442, %dma_start3A_443, %dma_start3A_444] : memref<8x50x128xf32, #tpu.memory_space<vmem>> -> memref<1x50x128xf32, #tpu.memory_space<vmem>>
      %dma_start3A_446 = tpu.memref_squeeze %dma_start3A_445 : memref<1x50x128xf32, #tpu.memory_space<vmem>> -> memref<50x128xf32, #tpu.memory_space<vmem>>
      %dma_start3A_447 = arith.constant 0 : i32
      %dma_start3A_448 = tpu.memref_slice %arg4[%add3A_441, %dma_start3A_447] : memref<819200x128xf32, #tpu.memory_space<hbm>> -> memref<50x128xf32, #tpu.memory_space<hbm>>
      %dma_start3A_449 = arith.constant 0 : i32
      %dma_start3A_450 = tpu.memref_slice %arg4[%add3A_441, %dma_start3A_449] : memref<819200x128xf32, #tpu.memory_space<hbm>> -> memref<50x128xf32, #tpu.memory_space<hbm>>
      %dma_start3A_451 = arith.constant 0 : i32
      %dma_start3A_452 = arith.constant 0 : i32
      %dma_start3A_453 = tpu.memref_slice %arg6[%dma_start3A_442, %dma_start3A_451, %dma_start3A_452] : memref<8x50x128xf32, #tpu.memory_space<vmem>> -> memref<1x50x128xf32, #tpu.memory_space<vmem>>
      %dma_start3A_454 = tpu.memref_squeeze %dma_start3A_453 : memref<1x50x128xf32, #tpu.memory_space<vmem>> -> memref<50x128xf32, #tpu.memory_space<vmem>>
      tpu.enqueue_dma source(%dma_start3A_454 : memref<50x128xf32, #tpu.memory_space<vmem>>) target(%dma_start3A_450 : memref<50x128xf32, #tpu.memory_space<hbm>>) target_semaphore(%arg20 : memref<!tpu.dma_semaphore, #tpu.memory_space<semaphore_mem>>)
      %add3A_455 = arith.constant 5 : i32
      %add3A_456 = arith.addi %mul3A_226, %add3A_455 : i32
      %add3A_457 = arith.constant 8 : i32
      %add3A_458 = arith.addi %add3A_456, %add3A_457 : i32
      %lt3A_459 = arith.constant 512 : i32
      %lt3A_460 = arith.cmpi slt, %add3A_458, %lt3A_459 : i32
      %convert_element_type3A_461 = arith.extui %lt3A_460 : i1 to i32
      %cond3A_462 = arith.constant 0 : i32
      %cond3A_463 = arith.cmpi ne, %convert_element_type3A_461, %cond3A_462 : i32
      scf.if %cond3A_463 {
        %add3A_544 = arith.constant 5 : i32
        %add3A_545 = arith.addi %mul3A_226, %add3A_544 : i32
        %mul3A_546 = arith.constant 50 : i32
        %mul3A_547 = arith.muli %add3A_545, %mul3A_546 : i32
        %add3A_548 = arith.addi %mul3A_4, %mul3A_547 : i32
        %dma_wait3A_549 = arith.constant 5 : i32
        %dma_wait3A_550 = arith.constant 0 : i32
        %dma_wait3A_551 = arith.constant 0 : i32
        %dma_wait3A_552 = tpu.memref_slice %arg6[%dma_wait3A_549, %dma_wait3A_550, %dma_wait3A_551] : memref<8x50x128xf32, #tpu.memory_space<vmem>> -> memref<1x50x128xf32, #tpu.memory_space<vmem>>
        %dma_wait3A_553 = tpu.memref_squeeze %dma_wait3A_552 : memref<1x50x128xf32, #tpu.memory_space<vmem>> -> memref<50x128xf32, #tpu.memory_space<vmem>>
        %dma_wait3A_554 = arith.constant 0 : i32
        %dma_wait3A_555 = tpu.memref_slice %arg4[%add3A_548, %dma_wait3A_554] : memref<819200x128xf32, #tpu.memory_space<hbm>> -> memref<50x128xf32, #tpu.memory_space<hbm>>
        %dma_wait3A_556 = arith.constant 0 : i32
        %dma_wait3A_557 = tpu.memref_slice %arg4[%add3A_548, %dma_wait3A_556] : memref<819200x128xf32, #tpu.memory_space<hbm>> -> memref<50x128xf32, #tpu.memory_space<hbm>>
        %dma_wait3A_558 = arith.constant 0 : i32
        %dma_wait3A_559 = arith.constant 0 : i32
        %dma_wait3A_560 = tpu.memref_slice %arg6[%dma_wait3A_549, %dma_wait3A_558, %dma_wait3A_559] : memref<8x50x128xf32, #tpu.memory_space<vmem>> -> memref<1x50x128xf32, #tpu.memory_space<vmem>>
        %dma_wait3A_561 = tpu.memref_squeeze %dma_wait3A_560 : memref<1x50x128xf32, #tpu.memory_space<vmem>> -> memref<50x128xf32, #tpu.memory_space<vmem>>
        tpu.wait_dma2 semaphore(%arg20 : memref<!tpu.dma_semaphore, #tpu.memory_space<semaphore_mem>>) src(%dma_wait3A_561 : memref<50x128xf32, #tpu.memory_space<vmem>>) dst(%dma_wait3A_557 : memref<50x128xf32, #tpu.memory_space<hbm>>)
        %dma_start3A_562 = arith.constant 5 : i32
        %dma_start3A_563 = arith.constant 0 : i32
        %dma_start3A_564 = arith.constant 0 : i32
        %dma_start3A_565 = tpu.memref_slice %arg6[%dma_start3A_562, %dma_start3A_563, %dma_start3A_564] : memref<8x50x128xf32, #tpu.memory_space<vmem>> -> memref<1x50x128xf32, #tpu.memory_space<vmem>>
        %dma_start3A_566 = tpu.memref_squeeze %dma_start3A_565 : memref<1x50x128xf32, #tpu.memory_space<vmem>> -> memref<50x128xf32, #tpu.memory_space<vmem>>
        %dma_start3A_567 = arith.constant 0 : i32
        %dma_start3A_568 = tpu.memref_slice %arg5[%add3A_458, %dma_start3A_567] : memref<512x50xi32, #tpu.memory_space<vmem>> -> memref<1x50xi32, #tpu.memory_space<vmem>>
        %dma_start3A_569 = tpu.memref_squeeze %dma_start3A_568 : memref<1x50xi32, #tpu.memory_space<vmem>> -> memref<50xi32, #tpu.memory_space<vmem>>
        %dma_start3A_570 = arith.constant 0 : i32
        %dma_start3A_571 = arith.constant 0 : i32
        %dma_start3A_572 = tpu.memref_slice %arg2[%dma_start3A_570, %dma_start3A_571] : memref<1000000x128xf32, #tpu.memory_space<hbm>> -> memref<1000000x128xf32, #tpu.memory_space<hbm>>
        tpu.enqueue_indirect_dma source(%dma_start3A_572 : memref<1000000x128xf32, #tpu.memory_space<hbm>>) target(%dma_start3A_566 : memref<50x128xf32, #tpu.memory_space<vmem>>) offsets(%dma_start3A_569 : memref<50xi32, #tpu.memory_space<vmem>>) semaphore(%arg12 : memref<!tpu.dma_semaphore, #tpu.memory_space<semaphore_mem>>)
      } else {
      }
      %add3A_464 = arith.constant 6 : i32
      %add3A_465 = arith.addi %mul3A_226, %add3A_464 : i32
      %dma_wait3A_466 = arith.constant 6 : i32
      %dma_wait3A_467 = arith.constant 0 : i32
      %dma_wait3A_468 = arith.constant 0 : i32
      %dma_wait3A_469 = tpu.memref_slice %arg6[%dma_wait3A_466, %dma_wait3A_467, %dma_wait3A_468] : memref<8x50x128xf32, #tpu.memory_space<vmem>> -> memref<1x50x128xf32, #tpu.memory_space<vmem>>
      %dma_wait3A_470 = tpu.memref_squeeze %dma_wait3A_469 : memref<1x50x128xf32, #tpu.memory_space<vmem>> -> memref<50x128xf32, #tpu.memory_space<vmem>>
      %dma_wait3A_471 = arith.constant 0 : i32
      %dma_wait3A_472 = tpu.memref_slice %arg5[%add3A_465, %dma_wait3A_471] : memref<512x50xi32, #tpu.memory_space<vmem>> -> memref<1x50xi32, #tpu.memory_space<vmem>>
      %dma_wait3A_473 = tpu.memref_squeeze %dma_wait3A_472 : memref<1x50xi32, #tpu.memory_space<vmem>> -> memref<50xi32, #tpu.memory_space<vmem>>
      %dma_wait3A_474 = arith.constant 0 : i32
      %dma_wait3A_475 = arith.constant 0 : i32
      %dma_wait3A_476 = tpu.memref_slice %arg2[%dma_wait3A_474, %dma_wait3A_475] : memref<1000000x128xf32, #tpu.memory_space<hbm>> -> memref<1000000x128xf32, #tpu.memory_space<hbm>>
      tpu.wait_indirect_dma semaphore(%arg13 : memref<!tpu.dma_semaphore, #tpu.memory_space<semaphore_mem>>) src(%dma_wait3A_476 : memref<1000000x128xf32, #tpu.memory_space<hbm>>) dst(%dma_wait3A_470 : memref<50x128xf32, #tpu.memory_space<vmem>>)
      %add3A_477 = arith.constant 6 : i32
      %add3A_478 = arith.addi %mul3A_226, %add3A_477 : i32
      %mul3A_479 = arith.constant 50 : i32
      %mul3A_480 = arith.muli %add3A_478, %mul3A_479 : i32
      %add3A_481 = arith.addi %mul3A_4, %mul3A_480 : i32
      %dma_start3A_482 = arith.constant 6 : i32
      %dma_start3A_483 = arith.constant 0 : i32
      %dma_start3A_484 = arith.constant 0 : i32
      %dma_start3A_485 = tpu.memref_slice %arg6[%dma_start3A_482, %dma_start3A_483, %dma_start3A_484] : memref<8x50x128xf32, #tpu.memory_space<vmem>> -> memref<1x50x128xf32, #tpu.memory_space<vmem>>
      %dma_start3A_486 = tpu.memref_squeeze %dma_start3A_485 : memref<1x50x128xf32, #tpu.memory_space<vmem>> -> memref<50x128xf32, #tpu.memory_space<vmem>>
      %dma_start3A_487 = arith.constant 0 : i32
      %dma_start3A_488 = tpu.memref_slice %arg4[%add3A_481, %dma_start3A_487] : memref<819200x128xf32, #tpu.memory_space<hbm>> -> memref<50x128xf32, #tpu.memory_space<hbm>>
      %dma_start3A_489 = arith.constant 0 : i32
      %dma_start3A_490 = tpu.memref_slice %arg4[%add3A_481, %dma_start3A_489] : memref<819200x128xf32, #tpu.memory_space<hbm>> -> memref<50x128xf32, #tpu.memory_space<hbm>>
      %dma_start3A_491 = arith.constant 0 : i32
      %dma_start3A_492 = arith.constant 0 : i32
      %dma_start3A_493 = tpu.memref_slice %arg6[%dma_start3A_482, %dma_start3A_491, %dma_start3A_492] : memref<8x50x128xf32, #tpu.memory_space<vmem>> -> memref<1x50x128xf32, #tpu.memory_space<vmem>>
      %dma_start3A_494 = tpu.memref_squeeze %dma_start3A_493 : memref<1x50x128xf32, #tpu.memory_space<vmem>> -> memref<50x128xf32, #tpu.memory_space<vmem>>
      tpu.enqueue_dma source(%dma_start3A_494 : memref<50x128xf32, #tpu.memory_space<vmem>>) target(%dma_start3A_490 : memref<50x128xf32, #tpu.memory_space<hbm>>) target_semaphore(%arg21 : memref<!tpu.dma_semaphore, #tpu.memory_space<semaphore_mem>>)
      %add3A_495 = arith.constant 6 : i32
      %add3A_496 = arith.addi %mul3A_226, %add3A_495 : i32
      %add3A_497 = arith.constant 8 : i32
      %add3A_498 = arith.addi %add3A_496, %add3A_497 : i32
      %lt3A_499 = arith.constant 512 : i32
      %lt3A_500 = arith.cmpi slt, %add3A_498, %lt3A_499 : i32
      %convert_element_type3A_501 = arith.extui %lt3A_500 : i1 to i32
      %cond3A_502 = arith.constant 0 : i32
      %cond3A_503 = arith.cmpi ne, %convert_element_type3A_501, %cond3A_502 : i32
      scf.if %cond3A_503 {
        %add3A_544 = arith.constant 6 : i32
        %add3A_545 = arith.addi %mul3A_226, %add3A_544 : i32
        %mul3A_546 = arith.constant 50 : i32
        %mul3A_547 = arith.muli %add3A_545, %mul3A_546 : i32
        %add3A_548 = arith.addi %mul3A_4, %mul3A_547 : i32
        %dma_wait3A_549 = arith.constant 6 : i32
        %dma_wait3A_550 = arith.constant 0 : i32
        %dma_wait3A_551 = arith.constant 0 : i32
        %dma_wait3A_552 = tpu.memref_slice %arg6[%dma_wait3A_549, %dma_wait3A_550, %dma_wait3A_551] : memref<8x50x128xf32, #tpu.memory_space<vmem>> -> memref<1x50x128xf32, #tpu.memory_space<vmem>>
        %dma_wait3A_553 = tpu.memref_squeeze %dma_wait3A_552 : memref<1x50x128xf32, #tpu.memory_space<vmem>> -> memref<50x128xf32, #tpu.memory_space<vmem>>
        %dma_wait3A_554 = arith.constant 0 : i32
        %dma_wait3A_555 = tpu.memref_slice %arg4[%add3A_548, %dma_wait3A_554] : memref<819200x128xf32, #tpu.memory_space<hbm>> -> memref<50x128xf32, #tpu.memory_space<hbm>>
        %dma_wait3A_556 = arith.constant 0 : i32
        %dma_wait3A_557 = tpu.memref_slice %arg4[%add3A_548, %dma_wait3A_556] : memref<819200x128xf32, #tpu.memory_space<hbm>> -> memref<50x128xf32, #tpu.memory_space<hbm>>
        %dma_wait3A_558 = arith.constant 0 : i32
        %dma_wait3A_559 = arith.constant 0 : i32
        %dma_wait3A_560 = tpu.memref_slice %arg6[%dma_wait3A_549, %dma_wait3A_558, %dma_wait3A_559] : memref<8x50x128xf32, #tpu.memory_space<vmem>> -> memref<1x50x128xf32, #tpu.memory_space<vmem>>
        %dma_wait3A_561 = tpu.memref_squeeze %dma_wait3A_560 : memref<1x50x128xf32, #tpu.memory_space<vmem>> -> memref<50x128xf32, #tpu.memory_space<vmem>>
        tpu.wait_dma2 semaphore(%arg21 : memref<!tpu.dma_semaphore, #tpu.memory_space<semaphore_mem>>) src(%dma_wait3A_561 : memref<50x128xf32, #tpu.memory_space<vmem>>) dst(%dma_wait3A_557 : memref<50x128xf32, #tpu.memory_space<hbm>>)
        %dma_start3A_562 = arith.constant 6 : i32
        %dma_start3A_563 = arith.constant 0 : i32
        %dma_start3A_564 = arith.constant 0 : i32
        %dma_start3A_565 = tpu.memref_slice %arg6[%dma_start3A_562, %dma_start3A_563, %dma_start3A_564] : memref<8x50x128xf32, #tpu.memory_space<vmem>> -> memref<1x50x128xf32, #tpu.memory_space<vmem>>
        %dma_start3A_566 = tpu.memref_squeeze %dma_start3A_565 : memref<1x50x128xf32, #tpu.memory_space<vmem>> -> memref<50x128xf32, #tpu.memory_space<vmem>>
        %dma_start3A_567 = arith.constant 0 : i32
        %dma_start3A_568 = tpu.memref_slice %arg5[%add3A_498, %dma_start3A_567] : memref<512x50xi32, #tpu.memory_space<vmem>> -> memref<1x50xi32, #tpu.memory_space<vmem>>
        %dma_start3A_569 = tpu.memref_squeeze %dma_start3A_568 : memref<1x50xi32, #tpu.memory_space<vmem>> -> memref<50xi32, #tpu.memory_space<vmem>>
        %dma_start3A_570 = arith.constant 0 : i32
        %dma_start3A_571 = arith.constant 0 : i32
        %dma_start3A_572 = tpu.memref_slice %arg2[%dma_start3A_570, %dma_start3A_571] : memref<1000000x128xf32, #tpu.memory_space<hbm>> -> memref<1000000x128xf32, #tpu.memory_space<hbm>>
        tpu.enqueue_indirect_dma source(%dma_start3A_572 : memref<1000000x128xf32, #tpu.memory_space<hbm>>) target(%dma_start3A_566 : memref<50x128xf32, #tpu.memory_space<vmem>>) offsets(%dma_start3A_569 : memref<50xi32, #tpu.memory_space<vmem>>) semaphore(%arg13 : memref<!tpu.dma_semaphore, #tpu.memory_space<semaphore_mem>>)
      } else {
      }
      %add3A_504 = arith.constant 7 : i32
      %add3A_505 = arith.addi %mul3A_226, %add3A_504 : i32
      %dma_wait3A_506 = arith.constant 7 : i32
      %dma_wait3A_507 = arith.constant 0 : i32
      %dma_wait3A_508 = arith.constant 0 : i32
      %dma_wait3A_509 = tpu.memref_slice %arg6[%dma_wait3A_506, %dma_wait3A_507, %dma_wait3A_508] : memref<8x50x128xf32, #tpu.memory_space<vmem>> -> memref<1x50x128xf32, #tpu.memory_space<vmem>>
      %dma_wait3A_510 = tpu.memref_squeeze %dma_wait3A_509 : memref<1x50x128xf32, #tpu.memory_space<vmem>> -> memref<50x128xf32, #tpu.memory_space<vmem>>
      %dma_wait3A_511 = arith.constant 0 : i32
      %dma_wait3A_512 = tpu.memref_slice %arg5[%add3A_505, %dma_wait3A_511] : memref<512x50xi32, #tpu.memory_space<vmem>> -> memref<1x50xi32, #tpu.memory_space<vmem>>
      %dma_wait3A_513 = tpu.memref_squeeze %dma_wait3A_512 : memref<1x50xi32, #tpu.memory_space<vmem>> -> memref<50xi32, #tpu.memory_space<vmem>>
      %dma_wait3A_514 = arith.constant 0 : i32
      %dma_wait3A_515 = arith.constant 0 : i32
      %dma_wait3A_516 = tpu.memref_slice %arg2[%dma_wait3A_514, %dma_wait3A_515] : memref<1000000x128xf32, #tpu.memory_space<hbm>> -> memref<1000000x128xf32, #tpu.memory_space<hbm>>
      tpu.wait_indirect_dma semaphore(%arg14 : memref<!tpu.dma_semaphore, #tpu.memory_space<semaphore_mem>>) src(%dma_wait3A_516 : memref<1000000x128xf32, #tpu.memory_space<hbm>>) dst(%dma_wait3A_510 : memref<50x128xf32, #tpu.memory_space<vmem>>)
      %add3A_517 = arith.constant 7 : i32
      %add3A_518 = arith.addi %mul3A_226, %add3A_517 : i32
      %mul3A_519 = arith.constant 50 : i32
      %mul3A_520 = arith.muli %add3A_518, %mul3A_519 : i32
      %add3A_521 = arith.addi %mul3A_4, %mul3A_520 : i32
      %dma_start3A_522 = arith.constant 7 : i32
      %dma_start3A_523 = arith.constant 0 : i32
      %dma_start3A_524 = arith.constant 0 : i32
      %dma_start3A_525 = tpu.memref_slice %arg6[%dma_start3A_522, %dma_start3A_523, %dma_start3A_524] : memref<8x50x128xf32, #tpu.memory_space<vmem>> -> memref<1x50x128xf32, #tpu.memory_space<vmem>>
      %dma_start3A_526 = tpu.memref_squeeze %dma_start3A_525 : memref<1x50x128xf32, #tpu.memory_space<vmem>> -> memref<50x128xf32, #tpu.memory_space<vmem>>
      %dma_start3A_527 = arith.constant 0 : i32
      %dma_start3A_528 = tpu.memref_slice %arg4[%add3A_521, %dma_start3A_527] : memref<819200x128xf32, #tpu.memory_space<hbm>> -> memref<50x128xf32, #tpu.memory_space<hbm>>
      %dma_start3A_529 = arith.constant 0 : i32
      %dma_start3A_530 = tpu.memref_slice %arg4[%add3A_521, %dma_start3A_529] : memref<819200x128xf32, #tpu.memory_space<hbm>> -> memref<50x128xf32, #tpu.memory_space<hbm>>
      %dma_start3A_531 = arith.constant 0 : i32
      %dma_start3A_532 = arith.constant 0 : i32
      %dma_start3A_533 = tpu.memref_slice %arg6[%dma_start3A_522, %dma_start3A_531, %dma_start3A_532] : memref<8x50x128xf32, #tpu.memory_space<vmem>> -> memref<1x50x128xf32, #tpu.memory_space<vmem>>
      %dma_start3A_534 = tpu.memref_squeeze %dma_start3A_533 : memref<1x50x128xf32, #tpu.memory_space<vmem>> -> memref<50x128xf32, #tpu.memory_space<vmem>>
      tpu.enqueue_dma source(%dma_start3A_534 : memref<50x128xf32, #tpu.memory_space<vmem>>) target(%dma_start3A_530 : memref<50x128xf32, #tpu.memory_space<hbm>>) target_semaphore(%arg22 : memref<!tpu.dma_semaphore, #tpu.memory_space<semaphore_mem>>)
      %add3A_535 = arith.constant 7 : i32
      %add3A_536 = arith.addi %mul3A_226, %add3A_535 : i32
      %add3A_537 = arith.constant 8 : i32
      %add3A_538 = arith.addi %add3A_536, %add3A_537 : i32
      %lt3A_539 = arith.constant 512 : i32
      %lt3A_540 = arith.cmpi slt, %add3A_538, %lt3A_539 : i32
      %convert_element_type3A_541 = arith.extui %lt3A_540 : i1 to i32
      %cond3A_542 = arith.constant 0 : i32
      %cond3A_543 = arith.cmpi ne, %convert_element_type3A_541, %cond3A_542 : i32
      scf.if %cond3A_543 {
        %add3A_544 = arith.constant 7 : i32
        %add3A_545 = arith.addi %mul3A_226, %add3A_544 : i32
        %mul3A_546 = arith.constant 50 : i32
        %mul3A_547 = arith.muli %add3A_545, %mul3A_546 : i32
        %add3A_548 = arith.addi %mul3A_4, %mul3A_547 : i32
        %dma_wait3A_549 = arith.constant 7 : i32
        %dma_wait3A_550 = arith.constant 0 : i32
        %dma_wait3A_551 = arith.constant 0 : i32
        %dma_wait3A_552 = tpu.memref_slice %arg6[%dma_wait3A_549, %dma_wait3A_550, %dma_wait3A_551] : memref<8x50x128xf32, #tpu.memory_space<vmem>> -> memref<1x50x128xf32, #tpu.memory_space<vmem>>
        %dma_wait3A_553 = tpu.memref_squeeze %dma_wait3A_552 : memref<1x50x128xf32, #tpu.memory_space<vmem>> -> memref<50x128xf32, #tpu.memory_space<vmem>>
        %dma_wait3A_554 = arith.constant 0 : i32
        %dma_wait3A_555 = tpu.memref_slice %arg4[%add3A_548, %dma_wait3A_554] : memref<819200x128xf32, #tpu.memory_space<hbm>> -> memref<50x128xf32, #tpu.memory_space<hbm>>
        %dma_wait3A_556 = arith.constant 0 : i32
        %dma_wait3A_557 = tpu.memref_slice %arg4[%add3A_548, %dma_wait3A_556] : memref<819200x128xf32, #tpu.memory_space<hbm>> -> memref<50x128xf32, #tpu.memory_space<hbm>>
        %dma_wait3A_558 = arith.constant 0 : i32
        %dma_wait3A_559 = arith.constant 0 : i32
        %dma_wait3A_560 = tpu.memref_slice %arg6[%dma_wait3A_549, %dma_wait3A_558, %dma_wait3A_559] : memref<8x50x128xf32, #tpu.memory_space<vmem>> -> memref<1x50x128xf32, #tpu.memory_space<vmem>>
        %dma_wait3A_561 = tpu.memref_squeeze %dma_wait3A_560 : memref<1x50x128xf32, #tpu.memory_space<vmem>> -> memref<50x128xf32, #tpu.memory_space<vmem>>
        tpu.wait_dma2 semaphore(%arg22 : memref<!tpu.dma_semaphore, #tpu.memory_space<semaphore_mem>>) src(%dma_wait3A_561 : memref<50x128xf32, #tpu.memory_space<vmem>>) dst(%dma_wait3A_557 : memref<50x128xf32, #tpu.memory_space<hbm>>)
        %dma_start3A_562 = arith.constant 7 : i32
        %dma_start3A_563 = arith.constant 0 : i32
        %dma_start3A_564 = arith.constant 0 : i32
        %dma_start3A_565 = tpu.memref_slice %arg6[%dma_start3A_562, %dma_start3A_563, %dma_start3A_564] : memref<8x50x128xf32, #tpu.memory_space<vmem>> -> memref<1x50x128xf32, #tpu.memory_space<vmem>>
        %dma_start3A_566 = tpu.memref_squeeze %dma_start3A_565 : memref<1x50x128xf32, #tpu.memory_space<vmem>> -> memref<50x128xf32, #tpu.memory_space<vmem>>
        %dma_start3A_567 = arith.constant 0 : i32
        %dma_start3A_568 = tpu.memref_slice %arg5[%add3A_538, %dma_start3A_567] : memref<512x50xi32, #tpu.memory_space<vmem>> -> memref<1x50xi32, #tpu.memory_space<vmem>>
        %dma_start3A_569 = tpu.memref_squeeze %dma_start3A_568 : memref<1x50xi32, #tpu.memory_space<vmem>> -> memref<50xi32, #tpu.memory_space<vmem>>
        %dma_start3A_570 = arith.constant 0 : i32
        %dma_start3A_571 = arith.constant 0 : i32
        %dma_start3A_572 = tpu.memref_slice %arg2[%dma_start3A_570, %dma_start3A_571] : memref<1000000x128xf32, #tpu.memory_space<hbm>> -> memref<1000000x128xf32, #tpu.memory_space<hbm>>
        tpu.enqueue_indirect_dma source(%dma_start3A_572 : memref<1000000x128xf32, #tpu.memory_space<hbm>>) target(%dma_start3A_566 : memref<50x128xf32, #tpu.memory_space<vmem>>) offsets(%dma_start3A_569 : memref<50xi32, #tpu.memory_space<vmem>>) semaphore(%arg14 : memref<!tpu.dma_semaphore, #tpu.memory_space<semaphore_mem>>)
      } else {
      }
    }
    %scan3A_104 = arith.constant 64 : i32
    %add3A_105 = arith.constant 25200 : i32
    %add3A_106 = arith.addi %mul3A_4, %add3A_105 : i32
    %dma_wait3A = arith.constant 0 : i32
    %dma_wait3A_107 = arith.constant 0 : i32
    %dma_wait3A_108 = arith.constant 0 : i32
    %dma_wait3A_109 = tpu.memref_slice %arg6[%dma_wait3A, %dma_wait3A_107, %dma_wait3A_108] : memref<8x50x128xf32, #tpu.memory_space<vmem>> -> memref<1x50x128xf32, #tpu.memory_space<vmem>>
    %dma_wait3A_110 = tpu.memref_squeeze %dma_wait3A_109 : memref<1x50x128xf32, #tpu.memory_space<vmem>> -> memref<50x128xf32, #tpu.memory_space<vmem>>
    %dma_wait3A_111 = arith.constant 0 : i32
    %dma_wait3A_112 = tpu.memref_slice %arg4[%add3A_106, %dma_wait3A_111] : memref<819200x128xf32, #tpu.memory_space<hbm>> -> memref<50x128xf32, #tpu.memory_space<hbm>>
    %dma_wait3A_113 = arith.constant 0 : i32
    %dma_wait3A_114 = tpu.memref_slice %arg4[%add3A_106, %dma_wait3A_113] : memref<819200x128xf32, #tpu.memory_space<hbm>> -> memref<50x128xf32, #tpu.memory_space<hbm>>
    %dma_wait3A_115 = arith.constant 0 : i32
    %dma_wait3A_116 = arith.constant 0 : i32
    %dma_wait3A_117 = tpu.memref_slice %arg6[%dma_wait3A, %dma_wait3A_115, %dma_wait3A_116] : memref<8x50x128xf32, #tpu.memory_space<vmem>> -> memref<1x50x128xf32, #tpu.memory_space<vmem>>
    %dma_wait3A_118 = tpu.memref_squeeze %dma_wait3A_117 : memref<1x50x128xf32, #tpu.memory_space<vmem>> -> memref<50x128xf32, #tpu.memory_space<vmem>>
    tpu.wait_dma2 semaphore(%arg15 : memref<!tpu.dma_semaphore, #tpu.memory_space<semaphore_mem>>) src(%dma_wait3A_118 : memref<50x128xf32, #tpu.memory_space<vmem>>) dst(%dma_wait3A_114 : memref<50x128xf32, #tpu.memory_space<hbm>>)
    %add3A_119 = arith.constant 25250 : i32
    %add3A_120 = arith.addi %mul3A_4, %add3A_119 : i32
    %dma_wait3A_121 = arith.constant 1 : i32
    %dma_wait3A_122 = arith.constant 0 : i32
    %dma_wait3A_123 = arith.constant 0 : i32
    %dma_wait3A_124 = tpu.memref_slice %arg6[%dma_wait3A_121, %dma_wait3A_122, %dma_wait3A_123] : memref<8x50x128xf32, #tpu.memory_space<vmem>> -> memref<1x50x128xf32, #tpu.memory_space<vmem>>
    %dma_wait3A_125 = tpu.memref_squeeze %dma_wait3A_124 : memref<1x50x128xf32, #tpu.memory_space<vmem>> -> memref<50x128xf32, #tpu.memory_space<vmem>>
    %dma_wait3A_126 = arith.constant 0 : i32
    %dma_wait3A_127 = tpu.memref_slice %arg4[%add3A_120, %dma_wait3A_126] : memref<819200x128xf32, #tpu.memory_space<hbm>> -> memref<50x128xf32, #tpu.memory_space<hbm>>
    %dma_wait3A_128 = arith.constant 0 : i32
    %dma_wait3A_129 = tpu.memref_slice %arg4[%add3A_120, %dma_wait3A_128] : memref<819200x128xf32, #tpu.memory_space<hbm>> -> memref<50x128xf32, #tpu.memory_space<hbm>>
    %dma_wait3A_130 = arith.constant 0 : i32
    %dma_wait3A_131 = arith.constant 0 : i32
    %dma_wait3A_132 = tpu.memref_slice %arg6[%dma_wait3A_121, %dma_wait3A_130, %dma_wait3A_131] : memref<8x50x128xf32, #tpu.memory_space<vmem>> -> memref<1x50x128xf32, #tpu.memory_space<vmem>>
    %dma_wait3A_133 = tpu.memref_squeeze %dma_wait3A_132 : memref<1x50x128xf32, #tpu.memory_space<vmem>> -> memref<50x128xf32, #tpu.memory_space<vmem>>
    tpu.wait_dma2 semaphore(%arg16 : memref<!tpu.dma_semaphore, #tpu.memory_space<semaphore_mem>>) src(%dma_wait3A_133 : memref<50x128xf32, #tpu.memory_space<vmem>>) dst(%dma_wait3A_129 : memref<50x128xf32, #tpu.memory_space<hbm>>)
    %add3A_134 = arith.constant 25300 : i32
    %add3A_135 = arith.addi %mul3A_4, %add3A_134 : i32
    %dma_wait3A_136 = arith.constant 2 : i32
    %dma_wait3A_137 = arith.constant 0 : i32
    %dma_wait3A_138 = arith.constant 0 : i32
    %dma_wait3A_139 = tpu.memref_slice %arg6[%dma_wait3A_136, %dma_wait3A_137, %dma_wait3A_138] : memref<8x50x128xf32, #tpu.memory_space<vmem>> -> memref<1x50x128xf32, #tpu.memory_space<vmem>>
    %dma_wait3A_140 = tpu.memref_squeeze %dma_wait3A_139 : memref<1x50x128xf32, #tpu.memory_space<vmem>> -> memref<50x128xf32, #tpu.memory_space<vmem>>
    %dma_wait3A_141 = arith.constant 0 : i32
    %dma_wait3A_142 = tpu.memref_slice %arg4[%add3A_135, %dma_wait3A_141] : memref<819200x128xf32, #tpu.memory_space<hbm>> -> memref<50x128xf32, #tpu.memory_space<hbm>>
    %dma_wait3A_143 = arith.constant 0 : i32
    %dma_wait3A_144 = tpu.memref_slice %arg4[%add3A_135, %dma_wait3A_143] : memref<819200x128xf32, #tpu.memory_space<hbm>> -> memref<50x128xf32, #tpu.memory_space<hbm>>
    %dma_wait3A_145 = arith.constant 0 : i32
    %dma_wait3A_146 = arith.constant 0 : i32
    %dma_wait3A_147 = tpu.memref_slice %arg6[%dma_wait3A_136, %dma_wait3A_145, %dma_wait3A_146] : memref<8x50x128xf32, #tpu.memory_space<vmem>> -> memref<1x50x128xf32, #tpu.memory_space<vmem>>
    %dma_wait3A_148 = tpu.memref_squeeze %dma_wait3A_147 : memref<1x50x128xf32, #tpu.memory_space<vmem>> -> memref<50x128xf32, #tpu.memory_space<vmem>>
    tpu.wait_dma2 semaphore(%arg17 : memref<!tpu.dma_semaphore, #tpu.memory_space<semaphore_mem>>) src(%dma_wait3A_148 : memref<50x128xf32, #tpu.memory_space<vmem>>) dst(%dma_wait3A_144 : memref<50x128xf32, #tpu.memory_space<hbm>>)
    %add3A_149 = arith.constant 25350 : i32
    %add3A_150 = arith.addi %mul3A_4, %add3A_149 : i32
    %dma_wait3A_151 = arith.constant 3 : i32
    %dma_wait3A_152 = arith.constant 0 : i32
    %dma_wait3A_153 = arith.constant 0 : i32
    %dma_wait3A_154 = tpu.memref_slice %arg6[%dma_wait3A_151, %dma_wait3A_152, %dma_wait3A_153] : memref<8x50x128xf32, #tpu.memory_space<vmem>> -> memref<1x50x128xf32, #tpu.memory_space<vmem>>
    %dma_wait3A_155 = tpu.memref_squeeze %dma_wait3A_154 : memref<1x50x128xf32, #tpu.memory_space<vmem>> -> memref<50x128xf32, #tpu.memory_space<vmem>>
    %dma_wait3A_156 = arith.constant 0 : i32
    %dma_wait3A_157 = tpu.memref_slice %arg4[%add3A_150, %dma_wait3A_156] : memref<819200x128xf32, #tpu.memory_space<hbm>> -> memref<50x128xf32, #tpu.memory_space<hbm>>
    %dma_wait3A_158 = arith.constant 0 : i32
    %dma_wait3A_159 = tpu.memref_slice %arg4[%add3A_150, %dma_wait3A_158] : memref<819200x128xf32, #tpu.memory_space<hbm>> -> memref<50x128xf32, #tpu.memory_space<hbm>>
    %dma_wait3A_160 = arith.constant 0 : i32
    %dma_wait3A_161 = arith.constant 0 : i32
    %dma_wait3A_162 = tpu.memref_slice %arg6[%dma_wait3A_151, %dma_wait3A_160, %dma_wait3A_161] : memref<8x50x128xf32, #tpu.memory_space<vmem>> -> memref<1x50x128xf32, #tpu.memory_space<vmem>>
    %dma_wait3A_163 = tpu.memref_squeeze %dma_wait3A_162 : memref<1x50x128xf32, #tpu.memory_space<vmem>> -> memref<50x128xf32, #tpu.memory_space<vmem>>
    tpu.wait_dma2 semaphore(%arg18 : memref<!tpu.dma_semaphore, #tpu.memory_space<semaphore_mem>>) src(%dma_wait3A_163 : memref<50x128xf32, #tpu.memory_space<vmem>>) dst(%dma_wait3A_159 : memref<50x128xf32, #tpu.memory_space<hbm>>)
    %add3A_164 = arith.constant 25400 : i32
    %add3A_165 = arith.addi %mul3A_4, %add3A_164 : i32
    %dma_wait3A_166 = arith.constant 4 : i32
    %dma_wait3A_167 = arith.constant 0 : i32
    %dma_wait3A_168 = arith.constant 0 : i32
    %dma_wait3A_169 = tpu.memref_slice %arg6[%dma_wait3A_166, %dma_wait3A_167, %dma_wait3A_168] : memref<8x50x128xf32, #tpu.memory_space<vmem>> -> memref<1x50x128xf32, #tpu.memory_space<vmem>>
    %dma_wait3A_170 = tpu.memref_squeeze %dma_wait3A_169 : memref<1x50x128xf32, #tpu.memory_space<vmem>> -> memref<50x128xf32, #tpu.memory_space<vmem>>
    %dma_wait3A_171 = arith.constant 0 : i32
    %dma_wait3A_172 = tpu.memref_slice %arg4[%add3A_165, %dma_wait3A_171] : memref<819200x128xf32, #tpu.memory_space<hbm>> -> memref<50x128xf32, #tpu.memory_space<hbm>>
    %dma_wait3A_173 = arith.constant 0 : i32
    %dma_wait3A_174 = tpu.memref_slice %arg4[%add3A_165, %dma_wait3A_173] : memref<819200x128xf32, #tpu.memory_space<hbm>> -> memref<50x128xf32, #tpu.memory_space<hbm>>
    %dma_wait3A_175 = arith.constant 0 : i32
    %dma_wait3A_176 = arith.constant 0 : i32
    %dma_wait3A_177 = tpu.memref_slice %arg6[%dma_wait3A_166, %dma_wait3A_175, %dma_wait3A_176] : memref<8x50x128xf32, #tpu.memory_space<vmem>> -> memref<1x50x128xf32, #tpu.memory_space<vmem>>
    %dma_wait3A_178 = tpu.memref_squeeze %dma_wait3A_177 : memref<1x50x128xf32, #tpu.memory_space<vmem>> -> memref<50x128xf32, #tpu.memory_space<vmem>>
    tpu.wait_dma2 semaphore(%arg19 : memref<!tpu.dma_semaphore, #tpu.memory_space<semaphore_mem>>) src(%dma_wait3A_178 : memref<50x128xf32, #tpu.memory_space<vmem>>) dst(%dma_wait3A_174 : memref<50x128xf32, #tpu.memory_space<hbm>>)
    %add3A_179 = arith.constant 25450 : i32
    %add3A_180 = arith.addi %mul3A_4, %add3A_179 : i32
    %dma_wait3A_181 = arith.constant 5 : i32
    %dma_wait3A_182 = arith.constant 0 : i32
    %dma_wait3A_183 = arith.constant 0 : i32
    %dma_wait3A_184 = tpu.memref_slice %arg6[%dma_wait3A_181, %dma_wait3A_182, %dma_wait3A_183] : memref<8x50x128xf32, #tpu.memory_space<vmem>> -> memref<1x50x128xf32, #tpu.memory_space<vmem>>
    %dma_wait3A_185 = tpu.memref_squeeze %dma_wait3A_184 : memref<1x50x128xf32, #tpu.memory_space<vmem>> -> memref<50x128xf32, #tpu.memory_space<vmem>>
    %dma_wait3A_186 = arith.constant 0 : i32
    %dma_wait3A_187 = tpu.memref_slice %arg4[%add3A_180, %dma_wait3A_186] : memref<819200x128xf32, #tpu.memory_space<hbm>> -> memref<50x128xf32, #tpu.memory_space<hbm>>
    %dma_wait3A_188 = arith.constant 0 : i32
    %dma_wait3A_189 = tpu.memref_slice %arg4[%add3A_180, %dma_wait3A_188] : memref<819200x128xf32, #tpu.memory_space<hbm>> -> memref<50x128xf32, #tpu.memory_space<hbm>>
    %dma_wait3A_190 = arith.constant 0 : i32
    %dma_wait3A_191 = arith.constant 0 : i32
    %dma_wait3A_192 = tpu.memref_slice %arg6[%dma_wait3A_181, %dma_wait3A_190, %dma_wait3A_191] : memref<8x50x128xf32, #tpu.memory_space<vmem>> -> memref<1x50x128xf32, #tpu.memory_space<vmem>>
    %dma_wait3A_193 = tpu.memref_squeeze %dma_wait3A_192 : memref<1x50x128xf32, #tpu.memory_space<vmem>> -> memref<50x128xf32, #tpu.memory_space<vmem>>
    tpu.wait_dma2 semaphore(%arg20 : memref<!tpu.dma_semaphore, #tpu.memory_space<semaphore_mem>>) src(%dma_wait3A_193 : memref<50x128xf32, #tpu.memory_space<vmem>>) dst(%dma_wait3A_189 : memref<50x128xf32, #tpu.memory_space<hbm>>)
    %add3A_194 = arith.constant 25500 : i32
    %add3A_195 = arith.addi %mul3A_4, %add3A_194 : i32
    %dma_wait3A_196 = arith.constant 6 : i32
    %dma_wait3A_197 = arith.constant 0 : i32
    %dma_wait3A_198 = arith.constant 0 : i32
    %dma_wait3A_199 = tpu.memref_slice %arg6[%dma_wait3A_196, %dma_wait3A_197, %dma_wait3A_198] : memref<8x50x128xf32, #tpu.memory_space<vmem>> -> memref<1x50x128xf32, #tpu.memory_space<vmem>>
    %dma_wait3A_200 = tpu.memref_squeeze %dma_wait3A_199 : memref<1x50x128xf32, #tpu.memory_space<vmem>> -> memref<50x128xf32, #tpu.memory_space<vmem>>
    %dma_wait3A_201 = arith.constant 0 : i32
    %dma_wait3A_202 = tpu.memref_slice %arg4[%add3A_195, %dma_wait3A_201] : memref<819200x128xf32, #tpu.memory_space<hbm>> -> memref<50x128xf32, #tpu.memory_space<hbm>>
    %dma_wait3A_203 = arith.constant 0 : i32
    %dma_wait3A_204 = tpu.memref_slice %arg4[%add3A_195, %dma_wait3A_203] : memref<819200x128xf32, #tpu.memory_space<hbm>> -> memref<50x128xf32, #tpu.memory_space<hbm>>
    %dma_wait3A_205 = arith.constant 0 : i32
    %dma_wait3A_206 = arith.constant 0 : i32
    %dma_wait3A_207 = tpu.memref_slice %arg6[%dma_wait3A_196, %dma_wait3A_205, %dma_wait3A_206] : memref<8x50x128xf32, #tpu.memory_space<vmem>> -> memref<1x50x128xf32, #tpu.memory_space<vmem>>
    %dma_wait3A_208 = tpu.memref_squeeze %dma_wait3A_207 : memref<1x50x128xf32, #tpu.memory_space<vmem>> -> memref<50x128xf32, #tpu.memory_space<vmem>>
    tpu.wait_dma2 semaphore(%arg21 : memref<!tpu.dma_semaphore, #tpu.memory_space<semaphore_mem>>) src(%dma_wait3A_208 : memref<50x128xf32, #tpu.memory_space<vmem>>) dst(%dma_wait3A_204 : memref<50x128xf32, #tpu.memory_space<hbm>>)
    %add3A_209 = arith.constant 25550 : i32
    %add3A_210 = arith.addi %mul3A_4, %add3A_209 : i32
    %dma_wait3A_211 = arith.constant 7 : i32
    %dma_wait3A_212 = arith.constant 0 : i32
    %dma_wait3A_213 = arith.constant 0 : i32
    %dma_wait3A_214 = tpu.memref_slice %arg6[%dma_wait3A_211, %dma_wait3A_212, %dma_wait3A_213] : memref<8x50x128xf32, #tpu.memory_space<vmem>> -> memref<1x50x128xf32, #tpu.memory_space<vmem>>
    %dma_wait3A_215 = tpu.memref_squeeze %dma_wait3A_214 : memref<1x50x128xf32, #tpu.memory_space<vmem>> -> memref<50x128xf32, #tpu.memory_space<vmem>>
    %dma_wait3A_216 = arith.constant 0 : i32
    %dma_wait3A_217 = tpu.memref_slice %arg4[%add3A_210, %dma_wait3A_216] : memref<819200x128xf32, #tpu.memory_space<hbm>> -> memref<50x128xf32, #tpu.memory_space<hbm>>
    %dma_wait3A_218 = arith.constant 0 : i32
    %dma_wait3A_219 = tpu.memref_slice %arg4[%add3A_210, %dma_wait3A_218] : memref<819200x128xf32, #tpu.memory_space<hbm>> -> memref<50x128xf32, #tpu.memory_space<hbm>>
    %dma_wait3A_220 = arith.constant 0 : i32
    %dma_wait3A_221 = arith.constant 0 : i32
    %dma_wait3A_222 = tpu.memref_slice %arg6[%dma_wait3A_211, %dma_wait3A_220, %dma_wait3A_221] : memref<8x50x128xf32, #tpu.memory_space<vmem>> -> memref<1x50x128xf32, #tpu.memory_space<vmem>>
    %dma_wait3A_223 = tpu.memref_squeeze %dma_wait3A_222 : memref<1x50x128xf32, #tpu.memory_space<vmem>> -> memref<50x128xf32, #tpu.memory_space<vmem>>
    tpu.wait_dma2 semaphore(%arg22 : memref<!tpu.dma_semaphore, #tpu.memory_space<semaphore_mem>>) src(%dma_wait3A_223 : memref<50x128xf32, #tpu.memory_space<vmem>>) dst(%dma_wait3A_219 : memref<50x128xf32, #tpu.memory_space<hbm>>)
    return
  }
}

module attributes {stable_mosaic.version = 14 : i64} {
  func.func @_pad_body(%arg0: i32, %arg1: memref<64x4096xf32, #tpu.memory_space<vmem>>, %arg2: memref<4096x128xf32, #tpu.memory_space<vmem>>) attributes {dimension_semantics = [#tpu.dimension_semantics<parallel>], iteration_bounds = array<i64: 245>, scalar_prefetch = 0 : i64, scratch_operands = 0 : i64, tpu.core_type = #tpu.core_type<tc>, window_params = [{transform_indices = @transform_0, window_bounds = array<i64: 64, 4096>}, {transform_indices = @transform_1, window_bounds = array<i64: 4096, 128>}]} {
    %get3A = arith.constant 0 : index
    %get3A_0 = arith.constant 0 : index
    %get3A_1 = vector.load %arg1[%get3A, %get3A_0] : memref<64x4096xf32, #tpu.memory_space<vmem>>, vector<64x4096xf32>
    %transpose3A = tpu.transpose %get3A_1, [1, 0] : vector<64x4096xf32> -> vector<4096x64xf32>
    %swap3A = arith.constant 0 : index
    %swap3A_2 = arith.constant 0 : index
    %swap3A_3 = vector.load %arg2[%swap3A, %swap3A_2] : memref<4096x128xf32, #tpu.memory_space<vmem>>, vector<4096x64xf32>
    tpu.vector_store %arg2[%swap3A, %swap3A_2], %transpose3A {strides = array<i32>} : memref<4096x128xf32, #tpu.memory_space<vmem>>, vector<4096x64xf32>,
    return
  }
  func.func @transform_0(%arg0: i32) -> (i32, i32) {
    %c0_i32 = arith.constant 0 : i32
    %c0_i32_0 = arith.constant 0 : i32
    return %c0_i32, %arg0 : i32, i32
  }
  func.func @transform_1(%arg0: i32) -> (i32, i32) {
    %c0_i32 = arith.constant 0 : i32
    %c0_i32_0 = arith.constant 0 : i32
    return %arg0, %c0_i32 : i32, i32
  }
}

module attributes {stable_mosaic.version = 14 : i64} {
  func.func @_tc_body(%arg0: i32, %arg1: memref<6400x128xf32, #tpu.memory_space<vmem>>, %arg2: memref<1x1x6400xi32, #tpu.memory_space<vmem>>, %arg3: memref<64x64xf32, #tpu.memory_space<vmem>>, %arg4: memref<64x64xf32, #tpu.memory_space<vmem>>, %arg5: memref<1x64xf32, #tpu.memory_space<vmem>>, %arg6: memref<128x50x64xf32, #tpu.memory_space<vmem>>) attributes {dimension_semantics = [#tpu.dimension_semantics<parallel>], iteration_bounds = array<i64: 128>, scalar_prefetch = 0 : i64, scratch_operands = 0 : i64, tpu.core_type = #tpu.core_type<tc>, window_params = [{transform_indices = @transform_0, window_bounds = array<i64: 6400, 128>}, {transform_indices = @transform_1, window_bounds = array<i64: 1, 1, 6400>}, {pipeline_mode = #tpu.pipeline_mode<synchronous>, transform_indices = @transform_2, window_bounds = array<i64: 64, 64>}, {pipeline_mode = #tpu.pipeline_mode<synchronous>, transform_indices = @transform_3, window_bounds = array<i64: 64, 64>}, {pipeline_mode = #tpu.pipeline_mode<synchronous>, transform_indices = @transform_4, window_bounds = array<i64: 1, 64>}, {transform_indices = @transform_5, window_bounds = array<i64: 128, 50, 64>}]} {
    %get3A = arith.constant 0 : index
    %get3A_0 = arith.constant 0 : index
    %get3A_1 = vector.load %arg1[%get3A, %get3A_0] : memref<6400x128xf32, #tpu.memory_space<vmem>>, vector<6400x64xf32>
    %get3A_2 = arith.constant 0 : index
    %get3A_3 = arith.constant 0 : index
    %get3A_4 = arith.constant 0 : index
    %get3A_5 = vector.load %arg2[%get3A_2, %get3A_3, %get3A_4] : memref<1x1x6400xi32, #tpu.memory_space<vmem>>, vector<1x1x6400xi32>
    %reshape3A = vector.shape_cast %get3A_5 : vector<1x1x6400xi32> to vector<6400x1xi32>
    %iota3A = tpu.iota {dimensions = array<i32: 1>} : vector<6400x64xi32>
    %eq3A = vector.broadcast %reshape3A : vector<6400x1xi32> to vector<6400x64xi32>
    %eq3A_6 = arith.cmpi eq, %eq3A, %iota3A : vector<6400x64xi32>
    %convert_element_type3A = arith.extui %eq3A_6 : vector<6400x64xi1> to vector<6400x64xi32>
    %convert_element_type3A_7 = arith.sitofp %convert_element_type3A : vector<6400x64xi32> to vector<6400x64xf32>
    %get3A_8 = arith.constant 0 : index
    %get3A_9 = arith.constant 0 : index
    %get3A_10 = vector.load %arg3[%get3A_8, %get3A_9] : memref<64x64xf32, #tpu.memory_space<vmem>>, vector<64x64xf32>
    %dot_general3A = arith.constant dense<0.000000e+00> : vector<6400x64xf32>
    %dot_general3A_11 = tpu.matmul %convert_element_type3A_7, %get3A_10, %dot_general3A {dimension_numbers = #tpu.dot_dimension_numbers<[1], [0], [0], [1], [0, 0, 1, 1], [], []>, transpose_lhs_hint = false} : vector<6400x64xf32>, vector<64x64xf32>, vector<6400x64xf32> -> vector<6400x64xf32>
    %add3A = arith.addf %get3A_1, %dot_general3A_11 : vector<6400x64xf32>
    %reduce_sum3A = arith.constant dense<0.000000e+00> : vector<6400xf32>
    %reduce_sum3A_12 = vector.multi_reduction <add>, %add3A, %reduce_sum3A [1] : vector<6400x64xf32> to vector<6400xf32>
    %broadcast_in_dim3A = vector.shape_cast %reduce_sum3A_12 : vector<6400xf32> to vector<6400x1xf32>
    %div3A = arith.constant 6.400000e+01 : f32
    %div3A_13 = vector.broadcast %div3A : f32 to vector<6400x1xf32>
    %div3A_14 = arith.divf %broadcast_in_dim3A, %div3A_13 : vector<6400x1xf32>
    %sub3A = vector.broadcast %div3A_14 : vector<6400x1xf32> to vector<6400x64xf32>
    %sub3A_15 = arith.subf %add3A, %sub3A : vector<6400x64xf32>
    %mul3A = arith.mulf %sub3A_15, %sub3A_15 : vector<6400x64xf32>
    %reduce_sum3A_16 = arith.constant dense<0.000000e+00> : vector<6400xf32>
    %reduce_sum3A_17 = vector.multi_reduction <add>, %mul3A, %reduce_sum3A_16 [1] : vector<6400x64xf32> to vector<6400xf32>
    %broadcast_in_dim3A_18 = vector.shape_cast %reduce_sum3A_17 : vector<6400xf32> to vector<6400x1xf32>
    %div3A_19 = arith.constant 6.400000e+01 : f32
    %div3A_20 = vector.broadcast %div3A_19 : f32 to vector<6400x1xf32>
    %div3A_21 = arith.divf %broadcast_in_dim3A_18, %div3A_20 : vector<6400x1xf32>
    %add3A_22 = arith.constant 9.99999974E-6 : f32
    %add3A_23 = vector.broadcast %add3A_22 : f32 to vector<6400x1xf32>
    %add3A_24 = arith.addf %div3A_21, %add3A_23 : vector<6400x1xf32>
    %rsqrt3A = math.rsqrt %add3A_24 : vector<6400x1xf32>
    %mul3A_25 = vector.broadcast %rsqrt3A : vector<6400x1xf32> to vector<6400x64xf32>
    %mul3A_26 = arith.mulf %sub3A_15, %mul3A_25 : vector<6400x64xf32>
    %get3A_27 = arith.constant 0 : index
    %get3A_28 = arith.constant 0 : index
    %get3A_29 = vector.load %arg4[%get3A_27, %get3A_28] : memref<64x64xf32, #tpu.memory_space<vmem>>, vector<64x64xf32>
    %dot_general3A_30 = arith.constant dense<0.000000e+00> : vector<6400x64xf32>
    %dot_general3A_31 = tpu.matmul %mul3A_26, %get3A_29, %dot_general3A_30 {dimension_numbers = #tpu.dot_dimension_numbers<[1], [0], [0], [1], [0, 0, 1, 1], [], []>, transpose_lhs_hint = false} : vector<6400x64xf32>, vector<64x64xf32>, vector<6400x64xf32> -> vector<6400x64xf32>
    %get3A_32 = arith.constant 0 : index
    %get3A_33 = arith.constant 0 : index
    %get3A_34 = vector.load %arg5[%get3A_32, %get3A_33] : memref<1x64xf32, #tpu.memory_space<vmem>>, vector<1x64xf32>
    %add3A_35 = vector.broadcast %get3A_34 : vector<1x64xf32> to vector<6400x64xf32>
    %add3A_36 = arith.addf %dot_general3A_31, %add3A_35 : vector<6400x64xf32>
    %reshape3A_37 = vector.shape_cast %add3A_36 : vector<6400x64xf32> to vector<128x50x64xf32>
    %swap3A = arith.constant 0 : index
    %swap3A_38 = arith.constant 0 : index
    %swap3A_39 = arith.constant 0 : index
    %swap3A_40 = vector.load %arg6[%swap3A, %swap3A_38, %swap3A_39] : memref<128x50x64xf32, #tpu.memory_space<vmem>>, vector<128x50x64xf32>
    tpu.vector_store %arg6[%swap3A, %swap3A_38, %swap3A_39], %reshape3A_37 {strides = array<i32>} : memref<128x50x64xf32, #tpu.memory_space<vmem>>, vector<128x50x64xf32>,
    return
  }
  func.func @transform_0(%arg0: i32) -> (i32, i32) {
    %c0_i32 = arith.constant 0 : i32
    %c0_i32_0 = arith.constant 0 : i32
    return %arg0, %c0_i32 : i32, i32
  }
  func.func @transform_1(%arg0: i32) -> (i32, i32, i32) {
    %c0_i32 = arith.constant 0 : i32
    %c0_i32_0 = arith.constant 0 : i32
    %c0_i32_1 = arith.constant 0 : i32
    return %arg0, %c0_i32, %c0_i32_0 : i32, i32, i32
  }
  func.func @transform_2(%arg0: i32) -> (i32, i32) {
    %c0_i32 = arith.constant 0 : i32
    %c0_i32_0 = arith.constant 0 : i32
    %c0_i32_1 = arith.constant 0 : i32
    return %c0_i32, %c0_i32_0 : i32, i32
  }
  func.func @transform_3(%arg0: i32) -> (i32, i32) {
    %c0_i32 = arith.constant 0 : i32
    %c0_i32_0 = arith.constant 0 : i32
    %c0_i32_1 = arith.constant 0 : i32
    return %c0_i32, %c0_i32_0 : i32, i32
  }
  func.func @transform_4(%arg0: i32) -> (i32, i32) {
    %c0_i32 = arith.constant 0 : i32
    %c0_i32_0 = arith.constant 0 : i32
    %c0_i32_1 = arith.constant 0 : i32
    return %c0_i32, %c0_i32_0 : i32, i32
  }
  func.func @transform_5(%arg0: i32) -> (i32, i32, i32) {
    %c0_i32 = arith.constant 0 : i32
    %c0_i32_0 = arith.constant 0 : i32
    %c0_i32_1 = arith.constant 0 : i32
    return %arg0, %c0_i32, %c0_i32_0 : i32, i32, i32
  }
}

</mosaic_0001>

<sc_bundles>
// kernel: kernel.5.cloned.1.call-start
scs
__scs_entry_jumppad:
0x0: {  	(pc) =	sbr.rel $0x88, $3  }
0x1: {  	(tag) =	ssettag $0x0;
	lr =	simm.s32 $0x1  }
0x2: {  	[smem:$0x3F99] =	sst lr;
	_ =	strace $0xD0000000  }
0x3: {  	_ = 	snop  }
0x4: {  	_ = 	snop  }
0x5: {  	_ = 	snop  }
0x6: {  	_ = 	snop  }
0x7: {  	_ = 	snop  }
__scs_overlays_trampoline_lowered:
0x8: {  	[smem:$0x3FA8] =	sst s0  }
0x9: {  	[smem:$0x3FA9] =	sst s1  }
0xa: {  	[smem:$0x3FAA] =	sst s2  }
0xb: {  	[smem:$0x3FAB] =	sst s3  }
0xc: {  	[smem:$0x3FAC] =	sst s4  }
0xd: {  	[smem:$0x3FAD] =	sst s5  }
0xe: {  	[smem:$0x3FAE] =	sst s6  }
0xf: {  	[smem:$0x3FAF] =	sst s7  }
0x10: {  	[smem:$0x3FB0] =	sst s8  }
0x11: {  	[smem:$0x3FB1] =	sst s9;
	s0 =	simm.s32 @!p0 $0x0  }
0x12: {  	s1 =	sld [smem:$0x3F97];
	s0 =	simm.s32 @p0 $0x1  }
0x13: {  	[smem:$0x3FB2] =	sst s0;
	s0 =	simm.s32 @!p1 $0x0  }
0x14: {  	s2 =	sld [smem:$0x3F96];
	s0 =	simm.s32 @p1 $0x1  }
0x15: {  	[smem:$0x3FB3] =	sst s0;
	s0 =	simm.s32 @!p2 $0x0  }
0x16: {  	s3 =	sld [smem:$0x3FDB];
	s0 =	simm.s32 @p2 $0x1  }
0x17: {  	s4 =	simm.s32 $0x1BF5;
	[smem:$0x3FB5] =	sst s0  }
0x18: {  	s0 =	sld [smem:$0x3F98];
	_ =	swait.ge [sflag:s4], $0x0  }
0x19: {  	s7 =	sld [smem:$0x3F99]  }
0x1a: {  	s8 =	sadd.s32 $0xFFFFE003, lr  }
0x1b: {  	s9 =	sadd.s32 $0xFFFFFEF7, lr;
	s5 =	simm.s32 $0xFFFFFFFF;
	p2 =	slt.u32 s8, $0xFFFFF086  }
0x1c: {  	p1 =	slt.u32 s9, $0xF7A;
	s5 =	simm.s32 @!p2 $0x0  }
0x1d: {  	s5 =	simm.s32 @p1 $0x1;
	p0 =	seq.s32 s7, s2  }
0x1e: {  	s7 =	smul.u32 @!p0 $0xF7A, s2;
	p2 =	seq.s32 @!p0 s5, $0x0  }
0x1f: {  	s9 =	smul.u32 $0xF7A, s1;
	s8 =	simm.s32 @!p0 $0x1BF5;
	p2 =	por !p2, p0  }
0x20: {  	[sflag:s8] =	ssyncset.s32 @!p0 $0xFFFFF086;
	s6 =	sadd.s32 @!p0 s3, s7;
	s7 =	simm.s32 @!p0 $0x108  }
0x21: {  	s3 =	sadd.s32 s3, s9;
	s6 =	sadd.s32 @!p0 $0x88, s6;
	s7 =	simm.s32 @p2 $0x1082  }
0x22: {  	[simem:s7], [sflag:s8] =	dma.local @!p0 [hbm:s6], $0xF7A  }
0x23: {  	s9 =	sor.u32 $0xD0000000, s2;
	s6 =	simm.s32 $0x108;
	_ =	swait.ge @!p0 [sflag:s8], $0x0  }
0x24: {  	s3 =	sadd.s32 $0x88, s3;
	s6 =	simm.s32 @!p1 $0x1082;
	[sflag:s4] =	ssyncset.s32 $0xFFFFF086  }
0x25: {  	[simem:s6], [sflag:s4] =	dma.local [hbm:s3], $0xF7A  }
0x26: {  	[smem:$0x3F99] =	sst s1;
	(tag) =	ssettag s2;
	_ =	strace s9  }
0x27: {  	s1 =	sld [smem:$0x3FA9]  }
0x28: {  	s2 =	sld [smem:$0x3FAA]  }
0x29: {  	s4 =	sld [smem:$0x3FAC]  }
0x2a: {  	p0 =	seq.s32 s5, $0x0;
	s5 =	sld [smem:$0x3FAD]  }
0x2b: {  	s6 =	sld [smem:$0x3FAE]  }
0x2c: {  	s7 =	sld [smem:$0x3FAF]  }
0x2d: {  	s3 =	simm.s32 $0x108;
	s8 =	sld [smem:$0x3FB0]  }
0x2e: {  	s3 =	simm.s32 @!p0 $0x1082;
	s9 =	sld [smem:$0x3FB1]  }
0x2f: {  	lr =	sadd.s32 s0, s3;
	s0 =	sld [smem:$0x3FA8]  }
0x30: {  	s3 =	sld [smem:$0x3FAB]  }
0x31: {  	[smem:$0x3FB4] =	sst s10  }
0x32: {  	s10 =	sld [smem:$0x3FB2];
	_ =	sdelay $0x3  }
0x33: {  	p0 =	seq.s32 s10, $0x1;
	s10 =	sld [smem:$0x3FB4];
	_ =	sdelay $0x3  }
0x34: {  	[smem:$0x3FB4] =	sst s10  }
0x35: {  	s10 =	sld [smem:$0x3FB3];
	_ =	sdelay $0x3  }
0x36: {  	p1 =	seq.s32 s10, $0x1;
	s10 =	sld [smem:$0x3FB4];
	_ =	sdelay $0x3  }
0x37: {  	[smem:$0x3FB4] =	sst s10  }
0x38: {  	s10 =	sld [smem:$0x3FB5]  }
0x39: {  	_ = 	snop;
	(pc) =	sbr.ind lr, $3  }
0x3a: {  	_ = 	snop  }
0x3b: {  	_ = 	snop  }
0x3c: {  	p2 =	seq.s32 s10, $0x1;
	s10 =	sld [smem:$0x3FB4]  }
0x3d: {  	_ =	shalt  }
0x3e: {  	_ =	shalt  }
0x3f: {  	_ =	shalt  }
0x40: {  	_ =	shalt  }
0x41: {  	_ =	shalt  }
0x42: {  	_ =	shalt  }
0x43: {  	_ =	shalt  }
0x44: {  	_ =	shalt  }
0x45: {  	_ =	shalt  }
0x46: {  	_ =	shalt  }
0x47: {  	_ =	shalt  }
0x48: {  	_ =	shalt  }
0x49: {  	_ =	shalt  }
0x4a: {  	_ =	shalt  }
0x4b: {  	_ =	shalt  }
0x4c: {  	_ =	shalt  }
0x4d: {  	_ =	shalt  }
0x4e: {  	_ =	shalt  }
0x4f: {  	_ =	shalt  }
0x50: {  	_ =	shalt  }
0x51: {  	_ =	shalt  }
0x52: {  	_ =	shalt  }
0x53: {  	_ =	shalt  }
0x54: {  	_ =	shalt  }
0x55: {  	_ =	shalt  }
0x56: {  	_ =	shalt  }
0x57: {  	_ =	shalt  }
0x58: {  	_ =	shalt  }
0x59: {  	_ =	shalt  }
0x5a: {  	_ =	shalt  }
0x5b: {  	_ =	shalt  }
0x5c: {  	_ =	shalt  }
0x5d: {  	_ =	shalt  }
0x5e: {  	_ =	shalt  }
0x5f: {  	_ =	shalt  }
0x60: {  	_ =	shalt  }
0x61: {  	_ =	shalt  }
0x62: {  	_ =	shalt  }
0x63: {  	_ =	shalt  }
0x64: {  	_ =	shalt  }
0x65: {  	_ =	shalt  }
0x66: {  	_ =	shalt  }
0x67: {  	_ =	shalt  }
0x68: {  	_ =	shalt  }
0x69: {  	_ =	shalt  }
0x6a: {  	_ =	shalt  }
0x6b: {  	_ =	shalt  }
0x6c: {  	_ =	shalt  }
0x6d: {  	_ =	shalt  }
0x6e: {  	_ =	shalt  }
0x6f: {  	_ =	shalt  }
0x70: {  	_ =	shalt  }
0x71: {  	_ =	shalt  }
0x72: {  	_ =	shalt  }
0x73: {  	_ =	shalt  }
0x74: {  	_ =	shalt  }
0x75: {  	_ =	shalt  }
0x76: {  	_ =	shalt  }
0x77: {  	_ =	shalt  }
0x78: {  	_ =	shalt  }
0x79: {  	_ =	shalt  }
0x7a: {  	_ =	shalt  }
0x7b: {  	_ =	shalt  }
0x7c: {  	_ =	shalt  }
0x7d: {  	_ =	shalt  }
0x7e: {  	_ =	shalt  }
0x7f: {  	_ =	shalt  }
0x80: {  	_ =	shalt  }
0x81: {  	_ =	shalt  }
0x82: {  	_ =	shalt  }
0x83: {  	_ =	shalt  }
0x84: {  	_ =	shalt  }
0x85: {  	_ =	shalt  }
0x86: {  	_ =	shalt  }
0x87: {  	_ =	shalt  }
.Lfunc_end0:
.L_simem_size_0:
called_computation_lowered:
.L_overlay_start_0:
0x88: {  	s2 =	sld [smem:$0x3FD9]  }
0x89: {  	s3 =	sld [smem:$0x3FFE];
	_ =	sdelay $0x1  }
0x8a: {  	s1 =	srdreg.scid  }
0x8b: {  	s0 =	sand.u32 $0x1, s1  }
0x8c: {  	s17 =	sshll.u32 s0, $0xA;
	s2 =	sadd.s32 s3, s2  }
0x8d: {  	s2 =	sadd.s32 s2, s17  }
0x8e: {  	[smem:$0x3FC0] =	sst s2  }
0x8f: {  	_ = 	snop  }
0x90: {  	s2 =	sld [smem:$0x3FD0];
	(tm) =	ssettm $0x1  }
0x91: {  	s18 =	sld [smem:$0x3FFB];
	_ =	sdelay $0x3  }
0x92: {  	_ =	strace s18  }
0x93: {  	s3 =	sld [smem:$0x3FFC];
	_ =	sdelay $0x3  }
0x94: {  	_ =	strace s3  }
0x95: {  	s3 =	sld [smem:$0x3FFD];
	_ =	sdelay $0x3  }
0x96: {  	_ =	strace s3  }
0x97: {  	_ =	strace $0x8FFFFFFF  }
0x98: {  	s19 =	sld [smem:$0x3FDB];
	_ =	sdelay $0x1  }
0x99: {  	s4 =	simm.s32 $_scs_section_size  }
0x9a: {  	s5 =	simm.s32 $_size__tile_overlayer_lowered;
	s6 =	simm.s32 $_tile_overlayer_lowered  }
0x9b: {  	s22 =	simm.s32 $0x1BFF;
	s21 =	sshll.u32 s6, $0x1;
	s3 =	sadd.s32 s4, s19  }
0x9c: {  	s7 =	simm.s32 $0x0;
	s20 =	sshll.u32 s5, $0x1;
	s5 =	sadd.s32 s21, s3  }
0x9d: {  	[timem:s7], [sflag:s22] =	dma.local [hbm:s5], s20  }
0x9e: {  	_ =	swait.ge [sflag:s22], s20  }
0x9f: {  	s4 =	ssub.s32 $0x0, s20;
	[sflag:s22] =	ssyncset.done $0x0  }
0xa0: {  	[sflag:s22] =	ssyncadd.s32 s4;
	_ =	sdelay $0x1  }
0xa1: {  	s23 =	simm.s32 $0x1B8B  }
0xa2: {  	_ =	swait.ge [sflag:s23], $0x1  }
0xa3: {  	[sflag:s23] =	ssyncset.done $0x0  }
0xa4: {  	s25 =	simm.s32 $0x1B8E;
	s24 =	sld [smem:$0x3FFE];
	[sflag:s23] =	ssyncadd.s32 $0xFFFFFFFF  }
0xa5: {  	s26 =	simm.s32 $execute0_lowered;
	[smem:$0x3FD2] =	sst s25  }
0xa6: {  	s5 =	sshll.u32 s26, $0x1;
	_ =	strace $0x80000046;
	[dreg:$0x1] =	wrdreg $0xFFFFFFFF  }
0xa7: {  	s28 =	simm.s32 $_size_execute0_lowered;
	s3 =	sadd.s32 s3, s5;
	[dreg:$0x0] =	wrdreg $0x0  }
0xa8: {  	s5 =	sshll.u32 s28, $0x1;
	[dreg:$0x2] =	wrdreg s3  }
0xa9: {  	[dreg:$0x3] =	wrdreg s5  }
0xaa: {  	[dreg:$0x4] =	wrdreg $0xC0  }
0xab: {  	_ =	task [dreg:s7], $0x5FFFF  }
0xac: {  	[dreg:$0x1] =	wrdreg $0xFFFFFFFF  }
0xad: {  	[dreg:$0x0] =	wrdreg $0x60  }
0xae: {  	[dreg:$0x2] =	wrdreg s24  }
0xaf: {  	[dreg:$0x3] =	wrdreg s2  }
0xb0: {  	[dreg:$0x4] =	wrdreg $0x9  }
0xb1: {  	_ =	task.clear_ibuf [dreg:s7], $0x5FFFF;
	_ =	strace $0x90000046  }
0xb2: {  	s29 =	simm.s32 $0x9;
	_ =	strace $0x80000048  }
0xb3: {  	_ =	swait.ge [sflag:s29], $0x1  }
0xb4: {  	[sflag:s29] =	ssyncadd.s32 $0xFFFFFFFF  }
0xb5: {  	_ =	strace $0x90000048  }
0xb6: {  	_ =	sfence  }
0xb7: {  	s30 =	sld [smem:$0x0];
	_ =	sdelay $0x2  }
0xb8: {  	s31 =	sshll.u32 s1, $0xD;
	s1 =	sshrl.u32 s1, $0x2  }
0xb9: {  	s3 =	sand.u32 $0x4000, s31;
	s1 =	sadd.s32 s1, s30  }
0xba: {  	s0 =	sor.u32 s3, s0;
	s1 =	sshll.u32 s1, $0x11  }
0xbb: {  	s0 =	sor.u32 s1, s0  }
0xbc: {  	s0 =	sadd.s32 $0x8F2B, s0  }
0xbd: {  	[sflag:s0] =	ssyncadd.remote.s32 $0x1  }
0xbe: {  	_ =	sfence.sel $0xFFFF  }
0xbf: {  	[dreg:$0x0] =	wrdreg $0xFFFFFFFF;
	(pc) =	sbr.abs _section_cstart, $3  }
0xc0: {  	[dreg:$0x1] =	wrdreg $0xFFFFFFFF  }
0xc1: {  	_ =	task.clear_ibuf [dreg:s7], $0x2FFFF;
	_ =	strace $0x9FFFFFFF  }
0xc2: {  	(tm) =	ssettm $0x7FFFFFFF  }
0xc3: {  	_ =	shalt  }
tec
execute0_lowered:
.L_overlay_start_1:
0x0: {  	(tag) =	ssettag $0x1  }
0x1: {  	s0 =	rddreg [dreg:$0x0]  }
0x2: {  	s1 =	rddreg [dreg:$0x1];
	s2 =	simm.s32 $0x0;
	s3 =	srdreg.scid  }
0x3: {  	s9 =	stileid.u32;
	s16 =	simm.s32 $0x32;
	s28 =	simm.s32 $0xED00  }
0x4: {  	s30 =	simm.s32 $0x10600;
	s18 =	simm.s32 $0x2;
	s20 =	simm.s32 $0x3  }
0x5: {  	s22 =	simm.s32 $0x4;
	s29 =	simm.s32 $0x7;
	s31 =	simm.s32 $0x8  }
0x6: {  	s15 =	simm.s32 $0x10;
	[smem:$0x7FF] =	sst s2;
	s4 =	sand.u32 $0x1, s3  }
0x7: {  	s5 =	smul.u32 $0xC800, s9;
	s3 =	sadd.s32 $0x1200, s0;
	s0 =	sadd.s32 $0xF43600, s0  }
0x8: {  	s23 =	sshll.u32 s9, $0x1;
	s26 =	smul.u32 $0xC8000, s9;
	_ =	strace $0x80000047  }
0x9: {  	s6 =	sor.u32 s4, s23;
	s7 =	smul.u32 $0x6400, s4;
	s8 =	ssub.s32 $0x2, s4  }
0xa: {  	[dreg:$0x3] =	wrdreg s0;
	s4 =	smul.u32 $0x64000, s4;
	s23 =	simm.s32 $0xBB00  }
0xb: {  	s6 =	smul.u32 $0xE00, s6;
	s24 =	sshrl.u32 s8, $0x1;
	s5 =	sadd.s32 s7, s5  }
0xc: {  	s0 =	ssub.s32 s8, s24;
	s14 =	sadd.s32 s4, s26;
	s24 =	simm.s32 $0x5  }
0xd: {  	s26 =	simm.s32 $0x6;
	s1 =	sadd.s32 s1, s6;
	s25 =	sshll.u32 s5, $0x4  }
.Ltmp0:
0xe: {  	s0 =	smax.u32 s0, $0x1;
	[dreg:$0x4] =	wrdreg s1;
	(pc) =	sbr.rel .LBB2_1-.Ltmp0, $4  }
0xf: {  	s5 =	simm.s32 $0x0;
	[dreg:$0x5] =	wrdreg s0;
	s7 =	sor.u32 $0x15E0, s25  }
0x10: {  	s8 =	sor.u32 $0x12C0, s25;
	s9 =	sor.u32 $0xFA0, s25;
	s10 =	sor.u32 $0xC80, s25  }
0x11: {  	s11 =	sor.u32 $0x960, s25;
	s12 =	sor.u32 $0x640, s25;
	s13 =	sor.u32 $0x320, s25  }
0x12: {  	s25 =	simm.s32 $0xD400;
	s0 =	simm.s32 $0x11F00;
	s1 =	simm.s32 $0x1  }
.LBB2_4:
0x13: {  	s4 =	simm.s32 $0x9  }
0x14: {  	_ =	swait.ge [sflag:s4], $0x1900  }
0x15: {  	[sflag:s4] =	ssyncset.done $0x0  }
0x16: {  	s19 =	simm.s32 $0xA;
	[sflag:s4] =	ssyncadd.s32 $0xFFFFE700  }
0x17: {  	_ =	swait.ge [sflag:s19], $0x1900  }
0x18: {  	[sflag:s19] =	ssyncset.done $0x0  }
0x19: {  	s21 =	simm.s32 $0xB;
	[sflag:s19] =	ssyncadd.s32 $0xFFFFE700  }
0x1a: {  	_ =	swait.ge [sflag:s21], $0x1900  }
0x1b: {  	[sflag:s21] =	ssyncset.done $0x0  }
0x1c: {  	s5 =	simm.s32 $0xC;
	[sflag:s21] =	ssyncadd.s32 $0xFFFFE700  }
0x1d: {  	_ =	swait.ge [sflag:s5], $0x1900  }
0x1e: {  	[sflag:s5] =	ssyncset.done $0x0  }
0x1f: {  	s6 =	simm.s32 $0xD;
	[sflag:s5] =	ssyncadd.s32 $0xFFFFE700  }
0x20: {  	_ =	swait.ge [sflag:s6], $0x1900  }
0x21: {  	[sflag:s6] =	ssyncset.done $0x0  }
0x22: {  	s17 =	simm.s32 $0xE;
	[sflag:s6] =	ssyncadd.s32 $0xFFFFE700  }
0x23: {  	_ =	swait.ge [sflag:s17], $0x1900  }
0x24: {  	[sflag:s17] =	ssyncset.done $0x0  }
0x25: {  	s19 =	simm.s32 $0xF;
	[sflag:s17] =	ssyncadd.s32 $0xFFFFE700  }
0x26: {  	_ =	swait.ge [sflag:s19], $0x1900  }
0x27: {  	[sflag:s19] =	ssyncset.done $0x0  }
0x28: {  	[sflag:s19] =	ssyncadd.s32 $0xFFFFE700  }
0x29: {  	_ =	swait.ge [sflag:s15], $0x1900  }
0x2a: {  	s5 =	rddreg [dreg:$0x6]  }
0x2b: {  	s21 =	rddreg [dreg:$0x5];
	s5 =	sadd.s32 $0x1, s5  }
0x2c: {  	p0 =	sne.s32 s5, s21  }
.Ltmp1:
0x2d: {  	_ = 	snop;
	(pc) =	sbr.rel @!p0 .LBB2_5-.Ltmp1, $3  }
0x2e: {  	_ =	sdelay $0x1  }
0x2f: {  	[sflag:s15] =	ssyncset.done $0x0  }
0x30: {  	[sflag:s15] =	ssyncadd.s32 $0xFFFFE700  }
.LBB2_1:
0x31: {  	[dreg:$0x6] =	wrdreg s5  }
0x32: {  	s4 =	rddreg [dreg:$0x4];
	s21 =	simm.s32 $0x11  }
0x33: {  	[tilespmem:s2], [sflag:$0x11] =	stream.linear.gather [hbm4b:s4+s2], $0x7000, $0x38;
	[tilespmem:$0x13800] =	vst v63  }
0x34: {  	_ =	swait.ge [sflag:s21], $0x7000  }
0x35: {  	[sflag:s21] =	ssyncset.done $0x0  }
0x36: {  	s5 =	simm.s32 $0x7000;
	[sflag:s21] =	ssyncadd.s32 $0xFFFF9000  }
0x37: {  	[tilespmem:s5], [sflag:$0x1] =	stream.indirect.gather [hbm4b:s3+s16], $0x80, s2, s16, $0xb8;
	[tilespmem:$0x13800] =	vst v63  }
0x38: {  	s6 =	simm.s32 $0x38;
	s17 =	simm.s32 $0x8900  }
0x39: {  	[tilespmem:s17], [sflag:$0x2] =	stream.indirect.gather [hbm4b:s3+s16], $0x80, s6, s16, $0xb8;
	[tilespmem:$0x13800] =	vst v63  }
0x3a: {  	s19 =	simm.s32 $0x70;
	s21 =	simm.s32 $0xA200  }
0x3b: {  	[tilespmem:s21], [sflag:$0x3] =	stream.indirect.gather [hbm4b:s3+s16], $0x80, s19, s16, $0xb8;
	[tilespmem:$0x13800] =	vst v63  }
0x3c: {  	s5 =	simm.s32 $0xA8  }
0x3d: {  	[tilespmem:s23], [sflag:$0x4] =	stream.indirect.gather [hbm4b:s3+s16], $0x80, s5, s16, $0xb8;
	[tilespmem:$0x13800] =	vst v63  }
0x3e: {  	s6 =	simm.s32 $0xE0  }
0x3f: {  	[tilespmem:s25], [sflag:$0x5] =	stream.indirect.gather [hbm4b:s3+s16], $0x80, s6, s16, $0xb8;
	[tilespmem:$0x13800] =	vst v63  }
0x40: {  	s17 =	simm.s32 $0x118  }
0x41: {  	[tilespmem:s28], [sflag:$0x6] =	stream.indirect.gather [hbm4b:s3+s16], $0x80, s17, s16, $0xb8;
	[tilespmem:$0x13800] =	vst v63  }
0x42: {  	s19 =	simm.s32 $0x150  }
0x43: {  	[tilespmem:s30], [sflag:$0x7] =	stream.indirect.gather [hbm4b:s3+s16], $0x80, s19, s16, $0xb8;
	[tilespmem:$0x13800] =	vst v63  }
0x44: {  	s21 =	simm.s32 $0x188;
	s5 =	rddreg [dreg:$0x3];
	s6 =	simm.s32 $0x0  }
0x45: {  	[tilespmem:s0], [sflag:$0x8] =	stream.indirect.gather [hbm4b:s3+s16], $0x80, s21, s16, $0xb8;
	[tilespmem:$0x13800] =	vst v63  }
.LBB2_2:
0x46: {  	_ =	swait.ge [sflag:s1], $0x1900  }
0x47: {  	s4 =	sadd.s32 s5, s14;
	[sflag:s1] =	ssyncset.done $0x0  }
0x48: {  	s17 =	simm.s32 $0x7000;
	p0 =	seq.s32 s6, $0x1B900;
	[sflag:s1] =	ssyncadd.s32 $0xFFFFE700  }
0x49: {  	[hbm4b:s4+s2] =	stream.linear.scatter [tilespmem:s17], [sflag:$0x9], $0x1900, $0x38;
	[tilespmem:$0x13800] =	vst v63  }
0x4a: {  	s4 =	simm.s32 @!p0 $0x9  }
0x4b: {  	_ =	swait.ge @!p0 [sflag:s4], $0x1900  }
0x4c: {  	[sflag:s4] =	ssyncset.done @!p0 $0x0  }
0x4d: {  	[sflag:s4] =	ssyncadd.s32 @!p0 $0xFFFFE700;
	s4 =	sshra.s32 @!p0 s6, $0x2  }
0x4e: {  	s21 =	simm.s32 @!p0 $0x7000;
	s17 =	simm.s32 @!p0 $0x32;
	s19 =	sadd.s32 @!p0 $0x1C0, s4  }
0x4f: {  	[tilespmem:s21], [sflag:$0x1] =	stream.indirect.gather @!p0 [hbm4b:s3+s17], $0x80, s19, s17, $0xb8;
	[tilespmem:$0x13800] =	vst v63  }
0x50: {  	_ =	swait.ge [sflag:s18], $0x1900  }
0x51: {  	[sflag:s18] =	ssyncset.done $0x0  }
0x52: {  	s19 =	sadd.s32 s5, s13;
	s21 =	simm.s32 $0x8900;
	[sflag:s18] =	ssyncadd.s32 $0xFFFFE700  }
0x53: {  	[hbm4b:s19+s2] =	stream.linear.scatter [tilespmem:s21], [sflag:$0xA], $0x1900, $0x38;
	[tilespmem:$0x13800] =	vst v63  }
0x54: {  	s19 =	simm.s32 @!p0 $0xA  }
0x55: {  	_ =	swait.ge @!p0 [sflag:s19], $0x1900  }
0x56: {  	[sflag:s19] =	ssyncset.done @!p0 $0x0  }
0x57: {  	s21 =	simm.s32 @!p0 $0x8900;
	[sflag:s19] =	ssyncadd.s32 @!p0 $0xFFFFE700;
	s19 =	sadd.s32 @!p0 $0x1F8, s4  }
0x58: {  	[tilespmem:s21], [sflag:$0x2] =	stream.indirect.gather @!p0 [hbm4b:s3+s17], $0x80, s19, s17, $0xb8;
	[tilespmem:$0x13800] =	vst v63  }
0x59: {  	_ =	swait.ge [sflag:s20], $0x1900  }
0x5a: {  	[sflag:s20] =	ssyncset.done $0x0  }
0x5b: {  	s19 =	sadd.s32 s5, s12;
	s21 =	simm.s32 $0xA200;
	[sflag:s20] =	ssyncadd.s32 $0xFFFFE700  }
0x5c: {  	[hbm4b:s19+s2] =	stream.linear.scatter [tilespmem:s21], [sflag:$0xB], $0x1900, $0x38;
	[tilespmem:$0x13800] =	vst v63  }
0x5d: {  	s19 =	simm.s32 @!p0 $0xB  }
0x5e: {  	_ =	swait.ge @!p0 [sflag:s19], $0x1900  }
0x5f: {  	[sflag:s19] =	ssyncset.done @!p0 $0x0  }
0x60: {  	s21 =	simm.s32 @!p0 $0xA200;
	[sflag:s19] =	ssyncadd.s32 @!p0 $0xFFFFE700;
	s19 =	sadd.s32 @!p0 $0x230, s4  }
0x61: {  	[tilespmem:s21], [sflag:$0x3] =	stream.indirect.gather @!p0 [hbm4b:s3+s17], $0x80, s19, s17, $0xb8;
	[tilespmem:$0x13800] =	vst v63  }
0x62: {  	_ =	swait.ge [sflag:s22], $0x1900  }
0x63: {  	[sflag:s22] =	ssyncset.done $0x0  }
0x64: {  	s21 =	sadd.s32 s5, s11;
	s19 =	simm.s32 @!p0 $0xC;
	[sflag:s22] =	ssyncadd.s32 $0xFFFFE700  }
0x65: {  	[hbm4b:s21+s2] =	stream.linear.scatter [tilespmem:s23], [sflag:$0xC], $0x1900, $0x38;
	[tilespmem:$0x13800] =	vst v63  }
0x66: {  	_ =	swait.ge @!p0 [sflag:s19], $0x1900  }
0x67: {  	[sflag:s19] =	ssyncset.done @!p0 $0x0  }
0x68: {  	s21 =	simm.s32 @!p0 $0xBB00;
	[sflag:s19] =	ssyncadd.s32 @!p0 $0xFFFFE700;
	s19 =	sadd.s32 @!p0 $0x268, s4  }
0x69: {  	[tilespmem:s21], [sflag:$0x4] =	stream.indirect.gather @!p0 [hbm4b:s3+s17], $0x80, s19, s17, $0xb8;
	[tilespmem:$0x13800] =	vst v63  }
0x6a: {  	_ =	swait.ge [sflag:s24], $0x1900  }
0x6b: {  	[sflag:s24] =	ssyncset.done $0x0  }
0x6c: {  	s21 =	sadd.s32 s5, s10;
	s19 =	simm.s32 @!p0 $0xD;
	[sflag:s24] =	ssyncadd.s32 $0xFFFFE700  }
0x6d: {  	[hbm4b:s21+s2] =	stream.linear.scatter [tilespmem:s25], [sflag:$0xD], $0x1900, $0x38;
	[tilespmem:$0x13800] =	vst v63  }
0x6e: {  	_ =	swait.ge @!p0 [sflag:s19], $0x1900  }
0x6f: {  	[sflag:s19] =	ssyncset.done @!p0 $0x0  }
0x70: {  	s21 =	simm.s32 @!p0 $0xD400;
	[sflag:s19] =	ssyncadd.s32 @!p0 $0xFFFFE700;
	s19 =	sadd.s32 @!p0 $0x2A0, s4  }
0x71: {  	[tilespmem:s21], [sflag:$0x5] =	stream.indirect.gather @!p0 [hbm4b:s3+s17], $0x80, s19, s17, $0xb8;
	[tilespmem:$0x13800] =	vst v63  }
0x72: {  	_ =	swait.ge [sflag:s26], $0x1900  }
0x73: {  	[sflag:s26] =	ssyncset.done $0x0  }
0x74: {  	s21 =	sadd.s32 s5, s9;
	s19 =	simm.s32 @!p0 $0xE;
	[sflag:s26] =	ssyncadd.s32 $0xFFFFE700  }
0x75: {  	[hbm4b:s21+s2] =	stream.linear.scatter [tilespmem:s28], [sflag:$0xE], $0x1900, $0x38;
	[tilespmem:$0x13800] =	vst v63  }
0x76: {  	_ =	swait.ge @!p0 [sflag:s19], $0x1900  }
0x77: {  	[sflag:s19] =	ssyncset.done @!p0 $0x0  }
0x78: {  	s21 =	simm.s32 @!p0 $0xED00;
	[sflag:s19] =	ssyncadd.s32 @!p0 $0xFFFFE700;
	s19 =	sadd.s32 @!p0 $0x2D8, s4  }
0x79: {  	[tilespmem:s21], [sflag:$0x6] =	stream.indirect.gather @!p0 [hbm4b:s3+s17], $0x80, s19, s17, $0xb8;
	[tilespmem:$0x13800] =	vst v63  }
0x7a: {  	_ =	swait.ge [sflag:s29], $0x1900  }
0x7b: {  	[sflag:s29] =	ssyncset.done $0x0  }
0x7c: {  	s21 =	sadd.s32 s5, s8;
	s19 =	simm.s32 @!p0 $0xF;
	[sflag:s29] =	ssyncadd.s32 $0xFFFFE700  }
0x7d: {  	[hbm4b:s21+s2] =	stream.linear.scatter [tilespmem:s30], [sflag:$0xF], $0x1900, $0x38;
	[tilespmem:$0x13800] =	vst v63  }
0x7e: {  	_ =	swait.ge @!p0 [sflag:s19], $0x1900  }
0x7f: {  	[sflag:s19] =	ssyncset.done @!p0 $0x0  }
0x80: {  	s4 =	sadd.s32 @!p0 $0x310, s4;
	[sflag:s19] =	ssyncadd.s32 @!p0 $0xFFFFE700;
	s19 =	simm.s32 @!p0 $0x10600  }
0x81: {  	[tilespmem:s19], [sflag:$0x7] =	stream.indirect.gather @!p0 [hbm4b:s3+s17], $0x80, s4, s17, $0xb8;
	[tilespmem:$0x13800] =	vst v63  }
.Ltmp2:
0x82: {  	_ = 	snop;
	(pc) =	sbr.rel @p0 .LBB2_4-.Ltmp2, $4  }
0x83: {  	_ =	swait.ge [sflag:s31], $0x1900  }
0x84: {  	[sflag:s31] =	ssyncset.done $0x0  }
0x85: {  	s21 =	sadd.s32 s5, s7;
	[sflag:s31] =	ssyncadd.s32 $0xFFFFE700  }
0x86: {  	[hbm4b:s21+s2] =	stream.linear.scatter [tilespmem:s0], [sflag:$0x10], $0x1900, $0x38;
	[tilespmem:$0x13800] =	vst v63  }
.Ltmp3:
0x87: {  	(pc) =	sbr.rel .LBB2_2-.Ltmp3, $4  }
0x88: {  	_ =	swait.ge [sflag:s15], $0x1900  }
0x89: {  	s4 =	sshra.s32 s6, $0x2;
	s6 =	sadd.s32 $0x700, s6;
	[sflag:s15] =	ssyncset.done $0x0  }
0x8a: {  	s5 =	sadd.s32 $0x1900, s5;
	s4 =	sadd.s32 $0x348, s4;
	[sflag:s15] =	ssyncadd.s32 $0xFFFFE700  }
0x8b: {  	[tilespmem:s0], [sflag:$0x8] =	stream.indirect.gather [hbm4b:s3+s16], $0x80, s4, s16, $0xb8;
	[tilespmem:$0x13800] =	vst v63  }
.LBB2_5:
0x8c: {  	_ =	sfence.sel $0x180000  }
0x8d: {  	[bflag:$0x0] =	sbarrier.arrive $0xFFFF  }
0x8e: {  	_ =	strace $0x90000047  }
0x8f: {  	s0 =	stileid.u32;
	[bflag:$0x2] =	sbarrier.arrive $0xFFFF  }
0x90: {  	p0 =	sne.s32 s0, $0x0;
	s0 =	rddreg [dreg:$0x2]  }
0x91: {  	s0 =	sadd.s32 @!p0 $0x100000, s0  }
0x92: {  	[sflag:s0] =	ssyncadd.tile.s32 @!p0 $0x1;
	_ =	shalt  }
.Lfunc_end2:
_tile_overlayer_lowered:
.L_overlay_start_2:
0x93: {  	(tag) =	ssettag $0x2  }
0x94: {  	s0 =	rddreg [dreg:$0x0];
	s2 =	stileid.u32  }
0x95: {  	s1 =	rddreg [dreg:$0x1];
	p0 =	sne.s32 s2, $0x0  }
0x96: {  	s3 =	rddreg [dreg:$0x2];
	[bflag:$0x3] =	sbarrier.arrive $0xFFFF;
	s2 =	simm.s32 @!p0 $0x1C11  }
0x97: {  	[timem:s3], [sflag:s2] =	dma.local @!p0 [hbm:s0], s1  }
0x98: {  	s0 =	simm.s32 @!p0 $0x11  }
0x99: {  	_ =	swait.ge @!p0 [sflag:s0], s1  }
0x9a: {  	s1 =	ssub.s32 @!p0 $0x0, s1;
	[sflag:s0] =	ssyncset.done @!p0 $0x0  }
0x9b: {  	[sflag:s0] =	ssyncadd.s32 @!p0 s1  }
0x9c: {  	[bflag:$0x3] =	sbarrier.arrive $0xFFFF  }
0x9d: {  	_ =	shalt  }

</sc_bundles>
